<compile_context>
chip_gen: v7x
topology: tpu7x:2x2x1
jax: 0.10.2.dev20260603
libtpu: 0.0.44.dev20260713+nightly
codegen_flags: <defaults>
</compile_context>

<pallas_src>
import functools

import jax
import jax.numpy as jnp
from jax import lax
from jax.experimental import pallas as pl
from jax.experimental.pallas import tpu as pltpu
from jax.experimental.pallas import tpu_sc as plsc

_K = 2
_LANES = 16
_BN = 512


def _routing_body(sp_hbm, bs_hbm, sp_v, bs_v):
    is_lead = (lax.axis_index("c") == 0) & (lax.axis_index("s") == 0)

    pltpu.sync_copy(sp_hbm, sp_v)
    s = sp_v[...]
    iota = lax.iota(jnp.int32, _LANES)
    neg_inf = jnp.float32(-jnp.inf)

    def _bfly(v, op):
        for k in (1, 2, 4, 8):
            v = op(v, v.at[iota ^ k].get(mode="promise_in_bounds"))
        return v

    m0 = _bfly(s, jnp.maximum)
    i0 = _bfly(jnp.where(s == m0, iota, jnp.int32(_LANES)), jnp.minimum)
    s1 = jnp.where(iota == i0, neg_inf, s)
    m1 = _bfly(s1, jnp.maximum)
    i1 = _bfly(jnp.where(s1 == m1, iota, jnp.int32(_LANES)), jnp.minimum)

    e1 = jnp.exp(m1 - m0)
    denom = jnp.float32(1.0) + e1
    p0 = jnp.float32(1.0) / denom
    p1 = e1 / denom

    zero = jnp.float32(0.0)
    bs_v[...] = jnp.where(iota == i0, p0, jnp.where(iota == i1, p1, zero))

    @pl.when(is_lead)
    def _():
        pltpu.sync_copy(bs_v, bs_hbm)


def _sc_routing(sp16):
    run = pl.kernel(
        _routing_body,
        mesh=plsc.VectorSubcoreMesh(core_axis_name="c", subcore_axis_name="s"),
        out_type=jax.ShapeDtypeStruct((_LANES,), jnp.float32),
        scratch_types=[
            pltpu.VMEM((_LANES,), jnp.float32),
            pltpu.VMEM((_LANES,), jnp.float32),
        ],
    )
    return run(sp16)


def _mm_body(sp_ref, x_ref, ws_ref, bs_ref, o_ref,
             w0_ref, w1_ref, wc_ref, bc_ref, sem0, sem1):
    i = pl.program_id(0)
    e = bs_ref.shape[0]

    m0 = sp_ref[0]
    i0 = jnp.int32(0)
    for j in range(1, e):
        better = sp_ref[j] > m0
        m0 = jnp.where(better, sp_ref[j], m0)
        i0 = jnp.where(better, jnp.int32(j), i0)
    m1 = jnp.float32(-jnp.inf)
    i1 = jnp.int32(0)
    for j in range(e):
        better = (jnp.int32(j) != i0) & (sp_ref[j] > m1)
        m1 = jnp.where(better, sp_ref[j], m1)
        i1 = jnp.where(better, jnp.int32(j), i1)

    ev = jnp.exp(jnp.full((8, 128), m1 - m0, dtype=jnp.float32))
    e1 = ev[0, 0]
    denom = jnp.float32(1.0) + e1
    p0 = jnp.float32(1.0) / denom
    p1 = e1 / denom

    @pl.when(i == 0)
    def _():
        c0 = pltpu.make_async_copy(ws_ref.at[i0], w0_ref, sem0)
        c1 = pltpu.make_async_copy(ws_ref.at[i1], w1_ref, sem1)
        c0.start()
        c1.start()
        c0.wait()
        c1.wait()
        wc_ref[...] = (p0 * w0_ref[...] + p1 * w1_ref[...]).astype(jnp.bfloat16)
        b = jnp.zeros((1, bs_ref.shape[1]), jnp.float32)
        for j in range(e):
            pj = jnp.where(i0 == j, p0, jnp.where(i1 == j, p1, jnp.float32(0.0)))
            b = b + pj * bs_ref[j][None, :]
        bc_ref[...] = b

    acc = lax.dot_general(
        x_ref[...].astype(jnp.bfloat16), wc_ref[...],
        dimension_numbers=(((1,), (1,)), ((), ())),
        preferred_element_type=jnp.float32,
    )
    o_ref[...] = acc + bc_ref[...]


def _tc_mixture(x, Ws, bs, sp):
    n, d = x.shape
    e = Ws.shape[0]
    grid = (n // _BN,)
    return pl.pallas_call(
        _mm_body,
        grid=grid,
        in_specs=[
            pl.BlockSpec(memory_space=pltpu.SMEM),
            pl.BlockSpec((_BN, d), lambda i: (i, 0)),
            pl.BlockSpec(memory_space=pl.ANY),
            pl.BlockSpec(memory_space=pltpu.VMEM),
        ],
        out_specs=pl.BlockSpec((_BN, d), lambda i: (i, 0)),
        out_shape=jax.ShapeDtypeStruct((n, d), jnp.float32),
        scratch_shapes=[
            pltpu.VMEM((d, d), jnp.float32),
            pltpu.VMEM((d, d), jnp.float32),
            pltpu.VMEM((d, d), jnp.bfloat16),
            pltpu.VMEM((1, d), jnp.float32),
            pltpu.SemaphoreType.DMA,
            pltpu.SemaphoreType.DMA,
        ],
    )(sp, x, Ws, bs)


def kernel(x, Ws, bs, scaling_params):
    e, d, _ = Ws.shape
    sp = scaling_params.astype(jnp.float32)
    sp16 = jnp.full((_LANES,), -jnp.inf, dtype=jnp.float32)
    sp16 = sp16.at[:e].set(sp)

    bs16 = _sc_routing(sp16)
    backbone_scores = bs16[:e].astype(x.dtype)

    out = _tc_mixture(x, Ws, bs, sp)
    return out, backbone_scores

# --- scband reference (transcript-rebuilt; emitter-appended) ---
"""Pipeline reference for scband-mixture-of-extractors-14345190768796 (READ-ONLY COPY).

The authoritative reference and input builder live on the scoring server;
editing this copy changes nothing except your own understanding.
"""

import jax, jax.numpy as jnp
import numpy as np

E = 8
K = 2
D = 1024
N = 8192


def setup_inputs(seed: int = 0) -> dict:
    key = jax.random.key(seed)
    k0, k1, k2 = jax.random.split(key, 3)
    x = jax.random.normal(k0, (N, D), dtype=jnp.float32)
    # Each extractor is a Linear(D, D): weight [D, D] (torch layout: out, in) and bias [D]
    Ws = jax.random.normal(k1, (E, D, D), dtype=jnp.float32) * (1.0 / np.sqrt(D))
    bs = jax.random.normal(k2, (E, D), dtype=jnp.float32) * 0.01
    # nn.Parameter(torch.ones(len(extractors)))
    scaling_params = jnp.ones((E,), dtype=jnp.float32)
    return {"x": x, "Ws": Ws, "bs": bs, "scaling_params": scaling_params}


def reference(x, Ws, bs, scaling_params):
    k_experts = K
    n_experts = Ws.shape[0]

    def expert(i, inp):
        # torch Linear: y = inp @ W.T + b
        W = jnp.take(Ws, i, axis=0)
        b = jnp.take(bs, i, axis=0)
        return inp @ W.T + b

    # option == 'add_k' branch
    top_k_values, top_k_indices = jax.lax.top_k(scaling_params, k_experts)
    top_k_probabilities = jax.nn.softmax(top_k_values, axis=0)
    out = top_k_probabilities[0] * expert(top_k_indices[0], x)
    for i in range(k_experts - 1):
        prob = top_k_probabilities[i + 1]
        idx = top_k_indices[i + 1]
        out = out + prob * expert(idx, x)
    # torch.zeros(E).scatter(0, top_k_indices, top_k_probabilities) -> scatter-overwrite
    backbone_scores = jnp.zeros((n_experts,), dtype=x.dtype).at[top_k_indices].set(top_k_probabilities)
    return out, backbone_scores

if __name__ == "__main__":
    import jax
    _d = setup_inputs()
    print(jax.jit(kernel)(*tuple(_d.values())))

</pallas_src>

<mosaic_0001>
#map = affine_map<(d0, d1) -> (0)>
module attributes {stable_mosaic.version = 14 : i64} {
  func.func @_routing_body(%arg0: i32, %arg1: i32, %arg2: memref<16xf32, #tpu.memory_space<hbm>>, %arg3: memref<16xf32, #tpu.memory_space<hbm>>, %arg4: memref<16xf32, #tpu.memory_space<vmem>>, %arg5: memref<16xf32, #tpu.memory_space<vmem>>) attributes {dimension_semantics = [#tpu.dimension_semantics<core_parallel>, #tpu.dimension_semantics<subcore_parallel>], iteration_bounds = array<i64: 2, 16>, scalar_prefetch = 0 : i64, scratch_operands = 2 : i64, tpu.core_type = #tpu.core_type<sc_vector_subcore>, window_params = [{transform_indices = #map}, {transform_indices = #map}]} {
    %eq3A = arith.constant 0 : i32
    %eq3A_0 = arith.cmpi eq, %arg0, %eq3A : i32
    %eq3A_1 = arith.constant 0 : i32
    %eq3A_2 = arith.cmpi eq, %arg1, %eq3A_1 : i32
    %and3A = arith.andi %eq3A_0, %eq3A_2 : i1
    "tpu.region"() ({
      %run_scoped3A = tpu.sem_alloc : memref<!tpu.dma_semaphore, #tpu.memory_space<semaphore_mem>>
      tpu.enqueue_dma source(%arg2 : memref<16xf32, #tpu.memory_space<hbm>>) target(%arg4 : memref<16xf32, #tpu.memory_space<vmem>>) target_semaphore(%run_scoped3A : memref<!tpu.dma_semaphore, #tpu.memory_space<semaphore_mem>>)
      tpu.wait_dma2 semaphore(%run_scoped3A : memref<!tpu.dma_semaphore, #tpu.memory_space<semaphore_mem>>) src(%arg2 : memref<16xf32, #tpu.memory_space<hbm>>) dst(%arg4 : memref<16xf32, #tpu.memory_space<vmem>>)
      tpu.yield
    }) : () -> ()
    %get3A = arith.constant 0 : index
    %get3A_3 = tpu.vector_load %arg4[%get3A] {strides = array<i32>} : memref<16xf32, #tpu.memory_space<vmem>>, vector<16xf32>,
    %get3A_4 = vector.shape_cast %get3A_3 : vector<16xf32> to vector<16xf32>
    %iota3A = tpu.iota {dimensions = array<i32: 0>} : vector<16xi32>
    %xor3A = arith.constant 1 : i32
    %xor3A_5 = vector.broadcast %xor3A : i32 to vector<16xi32>
    %xor3A_6 = arith.xori %iota3A, %xor3A_5 : vector<16xi32>
    %lt3A = arith.constant 0 : i32
    %lt3A_7 = vector.broadcast %lt3A : i32 to vector<16xi32>
    %lt3A_8 = arith.cmpi slt, %xor3A_6, %lt3A_7 : vector<16xi32>
    %add3A = arith.constant 16 : i32
    %add3A_9 = vector.broadcast %add3A : i32 to vector<16xi32>
    %add3A_10 = arith.addi %xor3A_6, %add3A_9 : vector<16xi32>
    %select_n3A = arith.select %lt3A_8, %add3A_10, %xor3A_6 : vector<16xi1>, vector<16xi32>
    %broadcast_in_dim3A = vector.shape_cast %select_n3A : vector<16xi32> to vector<16x1xi32>
    %gather3A = vector.shape_cast %broadcast_in_dim3A : vector<16x1xi32> to vector<16xi32>
    %gather3A_11 = tpu.dynamic_gather %get3A_4[%gather3A] in [0] : vector<16xf32>, vector<16xi32> -> vector<16xf32>
    %max3A = arith.maximumf %get3A_4, %gather3A_11 : vector<16xf32>
    %xor3A_12 = arith.constant 2 : i32
    %xor3A_13 = vector.broadcast %xor3A_12 : i32 to vector<16xi32>
    %xor3A_14 = arith.xori %iota3A, %xor3A_13 : vector<16xi32>
    %lt3A_15 = arith.constant 0 : i32
    %lt3A_16 = vector.broadcast %lt3A_15 : i32 to vector<16xi32>
    %lt3A_17 = arith.cmpi slt, %xor3A_14, %lt3A_16 : vector<16xi32>
    %add3A_18 = arith.constant 16 : i32
    %add3A_19 = vector.broadcast %add3A_18 : i32 to vector<16xi32>
    %add3A_20 = arith.addi %xor3A_14, %add3A_19 : vector<16xi32>
    %select_n3A_21 = arith.select %lt3A_17, %add3A_20, %xor3A_14 : vector<16xi1>, vector<16xi32>
    %broadcast_in_dim3A_22 = vector.shape_cast %select_n3A_21 : vector<16xi32> to vector<16x1xi32>
    %gather3A_23 = vector.shape_cast %broadcast_in_dim3A_22 : vector<16x1xi32> to vector<16xi32>
    %gather3A_24 = tpu.dynamic_gather %max3A[%gather3A_23] in [0] : vector<16xf32>, vector<16xi32> -> vector<16xf32>
    %max3A_25 = arith.maximumf %max3A, %gather3A_24 : vector<16xf32>
    %xor3A_26 = arith.constant 4 : i32
    %xor3A_27 = vector.broadcast %xor3A_26 : i32 to vector<16xi32>
    %xor3A_28 = arith.xori %iota3A, %xor3A_27 : vector<16xi32>
    %lt3A_29 = arith.constant 0 : i32
    %lt3A_30 = vector.broadcast %lt3A_29 : i32 to vector<16xi32>
    %lt3A_31 = arith.cmpi slt, %xor3A_28, %lt3A_30 : vector<16xi32>
    %add3A_32 = arith.constant 16 : i32
    %add3A_33 = vector.broadcast %add3A_32 : i32 to vector<16xi32>
    %add3A_34 = arith.addi %xor3A_28, %add3A_33 : vector<16xi32>
    %select_n3A_35 = arith.select %lt3A_31, %add3A_34, %xor3A_28 : vector<16xi1>, vector<16xi32>
    %broadcast_in_dim3A_36 = vector.shape_cast %select_n3A_35 : vector<16xi32> to vector<16x1xi32>
    %gather3A_37 = vector.shape_cast %broadcast_in_dim3A_36 : vector<16x1xi32> to vector<16xi32>
    %gather3A_38 = tpu.dynamic_gather %max3A_25[%gather3A_37] in [0] : vector<16xf32>, vector<16xi32> -> vector<16xf32>
    %max3A_39 = arith.maximumf %max3A_25, %gather3A_38 : vector<16xf32>
    %xor3A_40 = arith.constant 8 : i32
    %xor3A_41 = vector.broadcast %xor3A_40 : i32 to vector<16xi32>
    %xor3A_42 = arith.xori %iota3A, %xor3A_41 : vector<16xi32>
    %lt3A_43 = arith.constant 0 : i32
    %lt3A_44 = vector.broadcast %lt3A_43 : i32 to vector<16xi32>
    %lt3A_45 = arith.cmpi slt, %xor3A_42, %lt3A_44 : vector<16xi32>
    %add3A_46 = arith.constant 16 : i32
    %add3A_47 = vector.broadcast %add3A_46 : i32 to vector<16xi32>
    %add3A_48 = arith.addi %xor3A_42, %add3A_47 : vector<16xi32>
    %select_n3A_49 = arith.select %lt3A_45, %add3A_48, %xor3A_42 : vector<16xi1>, vector<16xi32>
    %broadcast_in_dim3A_50 = vector.shape_cast %select_n3A_49 : vector<16xi32> to vector<16x1xi32>
    %gather3A_51 = vector.shape_cast %broadcast_in_dim3A_50 : vector<16x1xi32> to vector<16xi32>
    %gather3A_52 = tpu.dynamic_gather %max3A_39[%gather3A_51] in [0] : vector<16xf32>, vector<16xi32> -> vector<16xf32>
    %max3A_53 = arith.maximumf %max3A_39, %gather3A_52 : vector<16xf32>
    %eq3A_54 = arith.cmpf oeq, %get3A_4, %max3A_53 : vector<16xf32>
    %jit3A = arith.constant 16 : i32
    %broadcast_in_dim3A_55 = vector.broadcast %jit3A : i32 to vector<16xi32>
    %select_n3A_56 = arith.select %eq3A_54, %iota3A, %broadcast_in_dim3A_55 : vector<16xi1>, vector<16xi32>
    %xor3A_57 = arith.constant 1 : i32
    %xor3A_58 = vector.broadcast %xor3A_57 : i32 to vector<16xi32>
    %xor3A_59 = arith.xori %iota3A, %xor3A_58 : vector<16xi32>
    %lt3A_60 = arith.constant 0 : i32
    %lt3A_61 = vector.broadcast %lt3A_60 : i32 to vector<16xi32>
    %lt3A_62 = arith.cmpi slt, %xor3A_59, %lt3A_61 : vector<16xi32>
    %add3A_63 = arith.constant 16 : i32
    %add3A_64 = vector.broadcast %add3A_63 : i32 to vector<16xi32>
    %add3A_65 = arith.addi %xor3A_59, %add3A_64 : vector<16xi32>
    %select_n3A_66 = arith.select %lt3A_62, %add3A_65, %xor3A_59 : vector<16xi1>, vector<16xi32>
    %broadcast_in_dim3A_67 = vector.shape_cast %select_n3A_66 : vector<16xi32> to vector<16x1xi32>
    %gather3A_68 = vector.shape_cast %broadcast_in_dim3A_67 : vector<16x1xi32> to vector<16xi32>
    %gather3A_69 = tpu.dynamic_gather %select_n3A_56[%gather3A_68] in [0] : vector<16xi32>, vector<16xi32> -> vector<16xi32>
    %min3A = arith.minsi %select_n3A_56, %gather3A_69 : vector<16xi32>
    %xor3A_70 = arith.constant 2 : i32
    %xor3A_71 = vector.broadcast %xor3A_70 : i32 to vector<16xi32>
    %xor3A_72 = arith.xori %iota3A, %xor3A_71 : vector<16xi32>
    %lt3A_73 = arith.constant 0 : i32
    %lt3A_74 = vector.broadcast %lt3A_73 : i32 to vector<16xi32>
    %lt3A_75 = arith.cmpi slt, %xor3A_72, %lt3A_74 : vector<16xi32>
    %add3A_76 = arith.constant 16 : i32
    %add3A_77 = vector.broadcast %add3A_76 : i32 to vector<16xi32>
    %add3A_78 = arith.addi %xor3A_72, %add3A_77 : vector<16xi32>
    %select_n3A_79 = arith.select %lt3A_75, %add3A_78, %xor3A_72 : vector<16xi1>, vector<16xi32>
    %broadcast_in_dim3A_80 = vector.shape_cast %select_n3A_79 : vector<16xi32> to vector<16x1xi32>
    %gather3A_81 = vector.shape_cast %broadcast_in_dim3A_80 : vector<16x1xi32> to vector<16xi32>
    %gather3A_82 = tpu.dynamic_gather %min3A[%gather3A_81] in [0] : vector<16xi32>, vector<16xi32> -> vector<16xi32>
    %min3A_83 = arith.minsi %min3A, %gather3A_82 : vector<16xi32>
    %xor3A_84 = arith.constant 4 : i32
    %xor3A_85 = vector.broadcast %xor3A_84 : i32 to vector<16xi32>
    %xor3A_86 = arith.xori %iota3A, %xor3A_85 : vector<16xi32>
    %lt3A_87 = arith.constant 0 : i32
    %lt3A_88 = vector.broadcast %lt3A_87 : i32 to vector<16xi32>
    %lt3A_89 = arith.cmpi slt, %xor3A_86, %lt3A_88 : vector<16xi32>
    %add3A_90 = arith.constant 16 : i32
    %add3A_91 = vector.broadcast %add3A_90 : i32 to vector<16xi32>
    %add3A_92 = arith.addi %xor3A_86, %add3A_91 : vector<16xi32>
    %select_n3A_93 = arith.select %lt3A_89, %add3A_92, %xor3A_86 : vector<16xi1>, vector<16xi32>
    %broadcast_in_dim3A_94 = vector.shape_cast %select_n3A_93 : vector<16xi32> to vector<16x1xi32>
    %gather3A_95 = vector.shape_cast %broadcast_in_dim3A_94 : vector<16x1xi32> to vector<16xi32>
    %gather3A_96 = tpu.dynamic_gather %min3A_83[%gather3A_95] in [0] : vector<16xi32>, vector<16xi32> -> vector<16xi32>
    %min3A_97 = arith.minsi %min3A_83, %gather3A_96 : vector<16xi32>
    %xor3A_98 = arith.constant 8 : i32
    %xor3A_99 = vector.broadcast %xor3A_98 : i32 to vector<16xi32>
    %xor3A_100 = arith.xori %iota3A, %xor3A_99 : vector<16xi32>
    %lt3A_101 = arith.constant 0 : i32
    %lt3A_102 = vector.broadcast %lt3A_101 : i32 to vector<16xi32>
    %lt3A_103 = arith.cmpi slt, %xor3A_100, %lt3A_102 : vector<16xi32>
    %add3A_104 = arith.constant 16 : i32
    %add3A_105 = vector.broadcast %add3A_104 : i32 to vector<16xi32>
    %add3A_106 = arith.addi %xor3A_100, %add3A_105 : vector<16xi32>
    %select_n3A_107 = arith.select %lt3A_103, %add3A_106, %xor3A_100 : vector<16xi1>, vector<16xi32>
    %broadcast_in_dim3A_108 = vector.shape_cast %select_n3A_107 : vector<16xi32> to vector<16x1xi32>
    %gather3A_109 = vector.shape_cast %broadcast_in_dim3A_108 : vector<16x1xi32> to vector<16xi32>
    %gather3A_110 = tpu.dynamic_gather %min3A_97[%gather3A_109] in [0] : vector<16xi32>, vector<16xi32> -> vector<16xi32>
    %min3A_111 = arith.minsi %min3A_97, %gather3A_110 : vector<16xi32>
    %eq3A_112 = arith.cmpi eq, %iota3A, %min3A_111 : vector<16xi32>
    %jit3A_113 = arith.constant 0xFF800000 : f32
    %broadcast_in_dim3A_114 = vector.broadcast %jit3A_113 : f32 to vector<16xf32>
    %select_n3A_115 = arith.select %eq3A_112, %broadcast_in_dim3A_114, %get3A_4 : vector<16xi1>, vector<16xf32>
    %xor3A_116 = arith.constant 1 : i32
    %xor3A_117 = vector.broadcast %xor3A_116 : i32 to vector<16xi32>
    %xor3A_118 = arith.xori %iota3A, %xor3A_117 : vector<16xi32>
    %lt3A_119 = arith.constant 0 : i32
    %lt3A_120 = vector.broadcast %lt3A_119 : i32 to vector<16xi32>
    %lt3A_121 = arith.cmpi slt, %xor3A_118, %lt3A_120 : vector<16xi32>
    %add3A_122 = arith.constant 16 : i32
    %add3A_123 = vector.broadcast %add3A_122 : i32 to vector<16xi32>
    %add3A_124 = arith.addi %xor3A_118, %add3A_123 : vector<16xi32>
    %select_n3A_125 = arith.select %lt3A_121, %add3A_124, %xor3A_118 : vector<16xi1>, vector<16xi32>
    %broadcast_in_dim3A_126 = vector.shape_cast %select_n3A_125 : vector<16xi32> to vector<16x1xi32>
    %gather3A_127 = vector.shape_cast %broadcast_in_dim3A_126 : vector<16x1xi32> to vector<16xi32>
    %gather3A_128 = tpu.dynamic_gather %select_n3A_115[%gather3A_127] in [0] : vector<16xf32>, vector<16xi32> -> vector<16xf32>
    %max3A_129 = arith.maximumf %select_n3A_115, %gather3A_128 : vector<16xf32>
    %xor3A_130 = arith.constant 2 : i32
    %xor3A_131 = vector.broadcast %xor3A_130 : i32 to vector<16xi32>
    %xor3A_132 = arith.xori %iota3A, %xor3A_131 : vector<16xi32>
    %lt3A_133 = arith.constant 0 : i32
    %lt3A_134 = vector.broadcast %lt3A_133 : i32 to vector<16xi32>
    %lt3A_135 = arith.cmpi slt, %xor3A_132, %lt3A_134 : vector<16xi32>
    %add3A_136 = arith.constant 16 : i32
    %add3A_137 = vector.broadcast %add3A_136 : i32 to vector<16xi32>
    %add3A_138 = arith.addi %xor3A_132, %add3A_137 : vector<16xi32>
    %select_n3A_139 = arith.select %lt3A_135, %add3A_138, %xor3A_132 : vector<16xi1>, vector<16xi32>
    %broadcast_in_dim3A_140 = vector.shape_cast %select_n3A_139 : vector<16xi32> to vector<16x1xi32>
    %gather3A_141 = vector.shape_cast %broadcast_in_dim3A_140 : vector<16x1xi32> to vector<16xi32>
    %gather3A_142 = tpu.dynamic_gather %max3A_129[%gather3A_141] in [0] : vector<16xf32>, vector<16xi32> -> vector<16xf32>
    %max3A_143 = arith.maximumf %max3A_129, %gather3A_142 : vector<16xf32>
    %xor3A_144 = arith.constant 4 : i32
    %xor3A_145 = vector.broadcast %xor3A_144 : i32 to vector<16xi32>
    %xor3A_146 = arith.xori %iota3A, %xor3A_145 : vector<16xi32>
    %lt3A_147 = arith.constant 0 : i32
    %lt3A_148 = vector.broadcast %lt3A_147 : i32 to vector<16xi32>
    %lt3A_149 = arith.cmpi slt, %xor3A_146, %lt3A_148 : vector<16xi32>
    %add3A_150 = arith.constant 16 : i32
    %add3A_151 = vector.broadcast %add3A_150 : i32 to vector<16xi32>
    %add3A_152 = arith.addi %xor3A_146, %add3A_151 : vector<16xi32>
    %select_n3A_153 = arith.select %lt3A_149, %add3A_152, %xor3A_146 : vector<16xi1>, vector<16xi32>
    %broadcast_in_dim3A_154 = vector.shape_cast %select_n3A_153 : vector<16xi32> to vector<16x1xi32>
    %gather3A_155 = vector.shape_cast %broadcast_in_dim3A_154 : vector<16x1xi32> to vector<16xi32>
    %gather3A_156 = tpu.dynamic_gather %max3A_143[%gather3A_155] in [0] : vector<16xf32>, vector<16xi32> -> vector<16xf32>
    %max3A_157 = arith.maximumf %max3A_143, %gather3A_156 : vector<16xf32>
    %xor3A_158 = arith.constant 8 : i32
    %xor3A_159 = vector.broadcast %xor3A_158 : i32 to vector<16xi32>
    %xor3A_160 = arith.xori %iota3A, %xor3A_159 : vector<16xi32>
    %lt3A_161 = arith.constant 0 : i32
    %lt3A_162 = vector.broadcast %lt3A_161 : i32 to vector<16xi32>
    %lt3A_163 = arith.cmpi slt, %xor3A_160, %lt3A_162 : vector<16xi32>
    %add3A_164 = arith.constant 16 : i32
    %add3A_165 = vector.broadcast %add3A_164 : i32 to vector<16xi32>
    %add3A_166 = arith.addi %xor3A_160, %add3A_165 : vector<16xi32>
    %select_n3A_167 = arith.select %lt3A_163, %add3A_166, %xor3A_160 : vector<16xi1>, vector<16xi32>
    %broadcast_in_dim3A_168 = vector.shape_cast %select_n3A_167 : vector<16xi32> to vector<16x1xi32>
    %gather3A_169 = vector.shape_cast %broadcast_in_dim3A_168 : vector<16x1xi32> to vector<16xi32>
    %gather3A_170 = tpu.dynamic_gather %max3A_157[%gather3A_169] in [0] : vector<16xf32>, vector<16xi32> -> vector<16xf32>
    %max3A_171 = arith.maximumf %max3A_157, %gather3A_170 : vector<16xf32>
    %eq3A_172 = arith.cmpf oeq, %select_n3A_115, %max3A_171 : vector<16xf32>
    %jit3A_173 = arith.constant 16 : i32
    %broadcast_in_dim3A_174 = vector.broadcast %jit3A_173 : i32 to vector<16xi32>
    %select_n3A_175 = arith.select %eq3A_172, %iota3A, %broadcast_in_dim3A_174 : vector<16xi1>, vector<16xi32>
    %xor3A_176 = arith.constant 1 : i32
    %xor3A_177 = vector.broadcast %xor3A_176 : i32 to vector<16xi32>
    %xor3A_178 = arith.xori %iota3A, %xor3A_177 : vector<16xi32>
    %lt3A_179 = arith.constant 0 : i32
    %lt3A_180 = vector.broadcast %lt3A_179 : i32 to vector<16xi32>
    %lt3A_181 = arith.cmpi slt, %xor3A_178, %lt3A_180 : vector<16xi32>
    %add3A_182 = arith.constant 16 : i32
    %add3A_183 = vector.broadcast %add3A_182 : i32 to vector<16xi32>
    %add3A_184 = arith.addi %xor3A_178, %add3A_183 : vector<16xi32>
    %select_n3A_185 = arith.select %lt3A_181, %add3A_184, %xor3A_178 : vector<16xi1>, vector<16xi32>
    %broadcast_in_dim3A_186 = vector.shape_cast %select_n3A_185 : vector<16xi32> to vector<16x1xi32>
    %gather3A_187 = vector.shape_cast %broadcast_in_dim3A_186 : vector<16x1xi32> to vector<16xi32>
    %gather3A_188 = tpu.dynamic_gather %select_n3A_175[%gather3A_187] in [0] : vector<16xi32>, vector<16xi32> -> vector<16xi32>
    %min3A_189 = arith.minsi %select_n3A_175, %gather3A_188 : vector<16xi32>
    %xor3A_190 = arith.constant 2 : i32
    %xor3A_191 = vector.broadcast %xor3A_190 : i32 to vector<16xi32>
    %xor3A_192 = arith.xori %iota3A, %xor3A_191 : vector<16xi32>
    %lt3A_193 = arith.constant 0 : i32
    %lt3A_194 = vector.broadcast %lt3A_193 : i32 to vector<16xi32>
    %lt3A_195 = arith.cmpi slt, %xor3A_192, %lt3A_194 : vector<16xi32>
    %add3A_196 = arith.constant 16 : i32
    %add3A_197 = vector.broadcast %add3A_196 : i32 to vector<16xi32>
    %add3A_198 = arith.addi %xor3A_192, %add3A_197 : vector<16xi32>
    %select_n3A_199 = arith.select %lt3A_195, %add3A_198, %xor3A_192 : vector<16xi1>, vector<16xi32>
    %broadcast_in_dim3A_200 = vector.shape_cast %select_n3A_199 : vector<16xi32> to vector<16x1xi32>
    %gather3A_201 = vector.shape_cast %broadcast_in_dim3A_200 : vector<16x1xi32> to vector<16xi32>
    %gather3A_202 = tpu.dynamic_gather %min3A_189[%gather3A_201] in [0] : vector<16xi32>, vector<16xi32> -> vector<16xi32>
    %min3A_203 = arith.minsi %min3A_189, %gather3A_202 : vector<16xi32>
    %xor3A_204 = arith.constant 4 : i32
    %xor3A_205 = vector.broadcast %xor3A_204 : i32 to vector<16xi32>
    %xor3A_206 = arith.xori %iota3A, %xor3A_205 : vector<16xi32>
    %lt3A_207 = arith.constant 0 : i32
    %lt3A_208 = vector.broadcast %lt3A_207 : i32 to vector<16xi32>
    %lt3A_209 = arith.cmpi slt, %xor3A_206, %lt3A_208 : vector<16xi32>
    %add3A_210 = arith.constant 16 : i32
    %add3A_211 = vector.broadcast %add3A_210 : i32 to vector<16xi32>
    %add3A_212 = arith.addi %xor3A_206, %add3A_211 : vector<16xi32>
    %select_n3A_213 = arith.select %lt3A_209, %add3A_212, %xor3A_206 : vector<16xi1>, vector<16xi32>
    %broadcast_in_dim3A_214 = vector.shape_cast %select_n3A_213 : vector<16xi32> to vector<16x1xi32>
    %gather3A_215 = vector.shape_cast %broadcast_in_dim3A_214 : vector<16x1xi32> to vector<16xi32>
    %gather3A_216 = tpu.dynamic_gather %min3A_203[%gather3A_215] in [0] : vector<16xi32>, vector<16xi32> -> vector<16xi32>
    %min3A_217 = arith.minsi %min3A_203, %gather3A_216 : vector<16xi32>
    %xor3A_218 = arith.constant 8 : i32
    %xor3A_219 = vector.broadcast %xor3A_218 : i32 to vector<16xi32>
    %xor3A_220 = arith.xori %iota3A, %xor3A_219 : vector<16xi32>
    %lt3A_221 = arith.constant 0 : i32
    %lt3A_222 = vector.broadcast %lt3A_221 : i32 to vector<16xi32>
    %lt3A_223 = arith.cmpi slt, %xor3A_220, %lt3A_222 : vector<16xi32>
    %add3A_224 = arith.constant 16 : i32
    %add3A_225 = vector.broadcast %add3A_224 : i32 to vector<16xi32>
    %add3A_226 = arith.addi %xor3A_220, %add3A_225 : vector<16xi32>
    %select_n3A_227 = arith.select %lt3A_223, %add3A_226, %xor3A_220 : vector<16xi1>, vector<16xi32>
    %broadcast_in_dim3A_228 = vector.shape_cast %select_n3A_227 : vector<16xi32> to vector<16x1xi32>
    %gather3A_229 = vector.shape_cast %broadcast_in_dim3A_228 : vector<16x1xi32> to vector<16xi32>
    %gather3A_230 = tpu.dynamic_gather %min3A_217[%gather3A_229] in [0] : vector<16xi32>, vector<16xi32> -> vector<16xi32>
    %min3A_231 = arith.minsi %min3A_217, %gather3A_230 : vector<16xi32>
    %sub3A = arith.subf %max3A_171, %max3A_53 : vector<16xf32>
    %exp3A = math.exp %sub3A : vector<16xf32>
    %add3A_232 = arith.constant 1.000000e+00 : f32
    %add3A_233 = vector.broadcast %add3A_232 : f32 to vector<16xf32>
    %add3A_234 = arith.addf %add3A_233, %exp3A : vector<16xf32>
    %div3A = arith.constant 1.000000e+00 : f32
    %div3A_235 = vector.broadcast %div3A : f32 to vector<16xf32>
    %div3A_236 = arith.divf %div3A_235, %add3A_234 : vector<16xf32>
    %div3A_237 = arith.divf %exp3A, %add3A_234 : vector<16xf32>
    %eq3A_238 = arith.cmpi eq, %iota3A, %min3A_111 : vector<16xi32>
    %eq3A_239 = arith.cmpi eq, %iota3A, %min3A_231 : vector<16xi32>
    %jit3A_240 = arith.constant 0.000000e+00 : f32
    %broadcast_in_dim3A_241 = vector.broadcast %jit3A_240 : f32 to vector<16xf32>
    %select_n3A_242 = arith.select %eq3A_239, %div3A_237, %broadcast_in_dim3A_241 : vector<16xi1>, vector<16xf32>
    %select_n3A_243 = arith.select %eq3A_238, %div3A_236, %select_n3A_242 : vector<16xi1>, vector<16xf32>
    %swap3A = arith.constant 0 : index
    %swap3A_244 = tpu.vector_load %arg5[%swap3A] {strides = array<i32>} : memref<16xf32, #tpu.memory_space<vmem>>, vector<16xf32>,
    %swap3A_245 = vector.shape_cast %swap3A_244 : vector<16xf32> to vector<16xf32>
    %swap3A_246 = vector.shape_cast %select_n3A_243 : vector<16xf32> to vector<16xf32>
    tpu.vector_store %arg5[%swap3A], %swap3A_246 {strides = array<i32>} : memref<16xf32, #tpu.memory_space<vmem>>, vector<16xf32>,
    %convert_element_type3A = arith.extui %and3A : i1 to i32
    %cond3A = arith.constant 0 : i32
    %cond3A_247 = arith.cmpi ne, %convert_element_type3A, %cond3A : i32
    scf.if %cond3A_247 {
      "tpu.region"() ({
        %run_scoped3A = tpu.sem_alloc : memref<!tpu.dma_semaphore, #tpu.memory_space<semaphore_mem>>
        tpu.enqueue_dma source(%arg5 : memref<16xf32, #tpu.memory_space<vmem>>) target(%arg3 : memref<16xf32, #tpu.memory_space<hbm>>) target_semaphore(%run_scoped3A : memref<!tpu.dma_semaphore, #tpu.memory_space<semaphore_mem>>)
        tpu.wait_dma2 semaphore(%run_scoped3A : memref<!tpu.dma_semaphore, #tpu.memory_space<semaphore_mem>>) src(%arg5 : memref<16xf32, #tpu.memory_space<vmem>>) dst(%arg3 : memref<16xf32, #tpu.memory_space<hbm>>)
        tpu.yield
      }) : () -> ()
    } else {
    }
    return
  }
}

module attributes {stable_mosaic.version = 14 : i64} {
  func.func @_mm_body(%arg0: i32, %arg1: memref<8xf32, #tpu.memory_space<smem>>, %arg2: memref<512x1024xf32, #tpu.memory_space<vmem>>, %arg3: memref<8x1024x1024xf32, #tpu.memory_space<any>>, %arg4: memref<8x1024xf32, #tpu.memory_space<vmem>>, %arg5: memref<512x1024xf32, #tpu.memory_space<vmem>>, %arg6: memref<1024x1024xf32, #tpu.memory_space<vmem>>, %arg7: memref<1024x1024xf32, #tpu.memory_space<vmem>>, %arg8: memref<1024x1024xbf16, #tpu.memory_space<vmem>>, %arg9: memref<1x1024xf32, #tpu.memory_space<vmem>>, %arg10: memref<!tpu.dma_semaphore, #tpu.memory_space<semaphore_mem>>, %arg11: memref<!tpu.dma_semaphore, #tpu.memory_space<semaphore_mem>>) attributes {dimension_semantics = [#tpu.dimension_semantics<arbitrary>], iteration_bounds = array<i64: 16>, scalar_prefetch = 0 : i64, scratch_operands = 6 : i64, tpu.core_type = #tpu.core_type<tc>, window_params = [{transform_indices = @transform_0, window_bounds = array<i64: 8>}, {transform_indices = @transform_1, window_bounds = array<i64: 512, 1024>}, {}, {pipeline_mode = #tpu.pipeline_mode<synchronous>, transform_indices = @transform_3, window_bounds = array<i64: 8, 1024>}, {transform_indices = @transform_4, window_bounds = array<i64: 512, 1024>}]} {
    %get3A = arith.constant 0 : index
    %get3A_0 = memref.load %arg1[%get3A] : memref<8xf32, #tpu.memory_space<smem>>
    %get3A_1 = arith.constant 1 : index
    %get3A_2 = memref.load %arg1[%get3A_1] : memref<8xf32, #tpu.memory_space<smem>>
    %gt3A = arith.cmpf ogt, %get3A_2, %get3A_0 : f32
    %get3A_3 = arith.constant 1 : index
    %get3A_4 = memref.load %arg1[%get3A_3] : memref<8xf32, #tpu.memory_space<smem>>
    %select_n3A = arith.select %gt3A, %get3A_4, %get3A_0 : f32
    %jit3A = arith.constant 1 : i32
    %jit3A_5 = arith.constant 0 : i32
    %select_n3A_6 = arith.select %gt3A, %jit3A, %jit3A_5 : i32
    %get3A_7 = arith.constant 2 : index
    %get3A_8 = memref.load %arg1[%get3A_7] : memref<8xf32, #tpu.memory_space<smem>>
    %gt3A_9 = arith.cmpf ogt, %get3A_8, %select_n3A : f32
    %get3A_10 = arith.constant 2 : index
    %get3A_11 = memref.load %arg1[%get3A_10] : memref<8xf32, #tpu.memory_space<smem>>
    %select_n3A_12 = arith.select %gt3A_9, %get3A_11, %select_n3A : f32
    %jit3A_13 = arith.constant 2 : i32
    %select_n3A_14 = arith.select %gt3A_9, %jit3A_13, %select_n3A_6 : i32
    %get3A_15 = arith.constant 3 : index
    %get3A_16 = memref.load %arg1[%get3A_15] : memref<8xf32, #tpu.memory_space<smem>>
    %gt3A_17 = arith.cmpf ogt, %get3A_16, %select_n3A_12 : f32
    %get3A_18 = arith.constant 3 : index
    %get3A_19 = memref.load %arg1[%get3A_18] : memref<8xf32, #tpu.memory_space<smem>>
    %select_n3A_20 = arith.select %gt3A_17, %get3A_19, %select_n3A_12 : f32
    %jit3A_21 = arith.constant 3 : i32
    %select_n3A_22 = arith.select %gt3A_17, %jit3A_21, %select_n3A_14 : i32
    %get3A_23 = arith.constant 4 : index
    %get3A_24 = memref.load %arg1[%get3A_23] : memref<8xf32, #tpu.memory_space<smem>>
    %gt3A_25 = arith.cmpf ogt, %get3A_24, %select_n3A_20 : f32
    %get3A_26 = arith.constant 4 : index
    %get3A_27 = memref.load %arg1[%get3A_26] : memref<8xf32, #tpu.memory_space<smem>>
    %select_n3A_28 = arith.select %gt3A_25, %get3A_27, %select_n3A_20 : f32
    %jit3A_29 = arith.constant 4 : i32
    %select_n3A_30 = arith.select %gt3A_25, %jit3A_29, %select_n3A_22 : i32
    %get3A_31 = arith.constant 5 : index
    %get3A_32 = memref.load %arg1[%get3A_31] : memref<8xf32, #tpu.memory_space<smem>>
    %gt3A_33 = arith.cmpf ogt, %get3A_32, %select_n3A_28 : f32
    %get3A_34 = arith.constant 5 : index
    %get3A_35 = memref.load %arg1[%get3A_34] : memref<8xf32, #tpu.memory_space<smem>>
    %select_n3A_36 = arith.select %gt3A_33, %get3A_35, %select_n3A_28 : f32
    %jit3A_37 = arith.constant 5 : i32
    %select_n3A_38 = arith.select %gt3A_33, %jit3A_37, %select_n3A_30 : i32
    %get3A_39 = arith.constant 6 : index
    %get3A_40 = memref.load %arg1[%get3A_39] : memref<8xf32, #tpu.memory_space<smem>>
    %gt3A_41 = arith.cmpf ogt, %get3A_40, %select_n3A_36 : f32
    %get3A_42 = arith.constant 6 : index
    %get3A_43 = memref.load %arg1[%get3A_42] : memref<8xf32, #tpu.memory_space<smem>>
    %select_n3A_44 = arith.select %gt3A_41, %get3A_43, %select_n3A_36 : f32
    %jit3A_45 = arith.constant 6 : i32
    %select_n3A_46 = arith.select %gt3A_41, %jit3A_45, %select_n3A_38 : i32
    %get3A_47 = arith.constant 7 : index
    %get3A_48 = memref.load %arg1[%get3A_47] : memref<8xf32, #tpu.memory_space<smem>>
    %gt3A_49 = arith.cmpf ogt, %get3A_48, %select_n3A_44 : f32
    %get3A_50 = arith.constant 7 : index
    %get3A_51 = memref.load %arg1[%get3A_50] : memref<8xf32, #tpu.memory_space<smem>>
    %select_n3A_52 = arith.select %gt3A_49, %get3A_51, %select_n3A_44 : f32
    %jit3A_53 = arith.constant 7 : i32
    %select_n3A_54 = arith.select %gt3A_49, %jit3A_53, %select_n3A_46 : i32
    %ne3A = arith.constant 0 : i32
    %ne3A_55 = arith.cmpi ne, %ne3A, %select_n3A_54 : i32
    %get3A_56 = arith.constant 0 : index
    %get3A_57 = memref.load %arg1[%get3A_56] : memref<8xf32, #tpu.memory_space<smem>>
    %gt3A_58 = arith.constant 0xFF800000 : f32
    %gt3A_59 = arith.cmpf ogt, %get3A_57, %gt3A_58 : f32
    %and3A = arith.andi %ne3A_55, %gt3A_59 : i1
    %get3A_60 = arith.constant 0 : index
    %get3A_61 = memref.load %arg1[%get3A_60] : memref<8xf32, #tpu.memory_space<smem>>
    %jit3A_62 = arith.constant 0xFF800000 : f32
    %select_n3A_63 = arith.select %and3A, %get3A_61, %jit3A_62 : f32
    %jit3A_64 = arith.constant 0 : i32
    %jit3A_65 = arith.constant 0 : i32
    %select_n3A_66 = arith.select %and3A, %jit3A_64, %jit3A_65 : i32
    %ne3A_67 = arith.constant 1 : i32
    %ne3A_68 = arith.cmpi ne, %ne3A_67, %select_n3A_54 : i32
    %get3A_69 = arith.constant 1 : index
    %get3A_70 = memref.load %arg1[%get3A_69] : memref<8xf32, #tpu.memory_space<smem>>
    %gt3A_71 = arith.cmpf ogt, %get3A_70, %select_n3A_63 : f32
    %and3A_72 = arith.andi %ne3A_68, %gt3A_71 : i1
    %get3A_73 = arith.constant 1 : index
    %get3A_74 = memref.load %arg1[%get3A_73] : memref<8xf32, #tpu.memory_space<smem>>
    %select_n3A_75 = arith.select %and3A_72, %get3A_74, %select_n3A_63 : f32
    %jit3A_76 = arith.constant 1 : i32
    %select_n3A_77 = arith.select %and3A_72, %jit3A_76, %select_n3A_66 : i32
    %ne3A_78 = arith.constant 2 : i32
    %ne3A_79 = arith.cmpi ne, %ne3A_78, %select_n3A_54 : i32
    %get3A_80 = arith.constant 2 : index
    %get3A_81 = memref.load %arg1[%get3A_80] : memref<8xf32, #tpu.memory_space<smem>>
    %gt3A_82 = arith.cmpf ogt, %get3A_81, %select_n3A_75 : f32
    %and3A_83 = arith.andi %ne3A_79, %gt3A_82 : i1
    %get3A_84 = arith.constant 2 : index
    %get3A_85 = memref.load %arg1[%get3A_84] : memref<8xf32, #tpu.memory_space<smem>>
    %select_n3A_86 = arith.select %and3A_83, %get3A_85, %select_n3A_75 : f32
    %jit3A_87 = arith.constant 2 : i32
    %select_n3A_88 = arith.select %and3A_83, %jit3A_87, %select_n3A_77 : i32
    %ne3A_89 = arith.constant 3 : i32
    %ne3A_90 = arith.cmpi ne, %ne3A_89, %select_n3A_54 : i32
    %get3A_91 = arith.constant 3 : index
    %get3A_92 = memref.load %arg1[%get3A_91] : memref<8xf32, #tpu.memory_space<smem>>
    %gt3A_93 = arith.cmpf ogt, %get3A_92, %select_n3A_86 : f32
    %and3A_94 = arith.andi %ne3A_90, %gt3A_93 : i1
    %get3A_95 = arith.constant 3 : index
    %get3A_96 = memref.load %arg1[%get3A_95] : memref<8xf32, #tpu.memory_space<smem>>
    %select_n3A_97 = arith.select %and3A_94, %get3A_96, %select_n3A_86 : f32
    %jit3A_98 = arith.constant 3 : i32
    %select_n3A_99 = arith.select %and3A_94, %jit3A_98, %select_n3A_88 : i32
    %ne3A_100 = arith.constant 4 : i32
    %ne3A_101 = arith.cmpi ne, %ne3A_100, %select_n3A_54 : i32
    %get3A_102 = arith.constant 4 : index
    %get3A_103 = memref.load %arg1[%get3A_102] : memref<8xf32, #tpu.memory_space<smem>>
    %gt3A_104 = arith.cmpf ogt, %get3A_103, %select_n3A_97 : f32
    %and3A_105 = arith.andi %ne3A_101, %gt3A_104 : i1
    %get3A_106 = arith.constant 4 : index
    %get3A_107 = memref.load %arg1[%get3A_106] : memref<8xf32, #tpu.memory_space<smem>>
    %select_n3A_108 = arith.select %and3A_105, %get3A_107, %select_n3A_97 : f32
    %jit3A_109 = arith.constant 4 : i32
    %select_n3A_110 = arith.select %and3A_105, %jit3A_109, %select_n3A_99 : i32
    %ne3A_111 = arith.constant 5 : i32
    %ne3A_112 = arith.cmpi ne, %ne3A_111, %select_n3A_54 : i32
    %get3A_113 = arith.constant 5 : index
    %get3A_114 = memref.load %arg1[%get3A_113] : memref<8xf32, #tpu.memory_space<smem>>
    %gt3A_115 = arith.cmpf ogt, %get3A_114, %select_n3A_108 : f32
    %and3A_116 = arith.andi %ne3A_112, %gt3A_115 : i1
    %get3A_117 = arith.constant 5 : index
    %get3A_118 = memref.load %arg1[%get3A_117] : memref<8xf32, #tpu.memory_space<smem>>
    %select_n3A_119 = arith.select %and3A_116, %get3A_118, %select_n3A_108 : f32
    %jit3A_120 = arith.constant 5 : i32
    %select_n3A_121 = arith.select %and3A_116, %jit3A_120, %select_n3A_110 : i32
    %ne3A_122 = arith.constant 6 : i32
    %ne3A_123 = arith.cmpi ne, %ne3A_122, %select_n3A_54 : i32
    %get3A_124 = arith.constant 6 : index
    %get3A_125 = memref.load %arg1[%get3A_124] : memref<8xf32, #tpu.memory_space<smem>>
    %gt3A_126 = arith.cmpf ogt, %get3A_125, %select_n3A_119 : f32
    %and3A_127 = arith.andi %ne3A_123, %gt3A_126 : i1
    %get3A_128 = arith.constant 6 : index
    %get3A_129 = memref.load %arg1[%get3A_128] : memref<8xf32, #tpu.memory_space<smem>>
    %select_n3A_130 = arith.select %and3A_127, %get3A_129, %select_n3A_119 : f32
    %jit3A_131 = arith.constant 6 : i32
    %select_n3A_132 = arith.select %and3A_127, %jit3A_131, %select_n3A_121 : i32
    %ne3A_133 = arith.constant 7 : i32
    %ne3A_134 = arith.cmpi ne, %ne3A_133, %select_n3A_54 : i32
    %get3A_135 = arith.constant 7 : index
    %get3A_136 = memref.load %arg1[%get3A_135] : memref<8xf32, #tpu.memory_space<smem>>
    %gt3A_137 = arith.cmpf ogt, %get3A_136, %select_n3A_130 : f32
    %and3A_138 = arith.andi %ne3A_134, %gt3A_137 : i1
    %get3A_139 = arith.constant 7 : index
    %get3A_140 = memref.load %arg1[%get3A_139] : memref<8xf32, #tpu.memory_space<smem>>
    %select_n3A_141 = arith.select %and3A_138, %get3A_140, %select_n3A_130 : f32
    %jit3A_142 = arith.constant 7 : i32
    %select_n3A_143 = arith.select %and3A_138, %jit3A_142, %select_n3A_132 : i32
    %sub3A = arith.subf %select_n3A_141, %select_n3A_52 : f32
    %broadcast_in_dim3A = vector.broadcast %sub3A : f32 to vector<8x128xf32>
    %exp3A = math.exp %broadcast_in_dim3A : vector<8x128xf32>
    %slice3A = vector.extract_strided_slice %exp3A {offsets = [0, 0], sizes = [1, 1], strides = [1, 1]} : vector<8x128xf32> to vector<1x1xf32>
    %squeeze3A = vector.extract %slice3A[0, 0] : f32 from vector<1x1xf32>
    %add3A = arith.constant 1.000000e+00 : f32
    %add3A_144 = arith.addf %add3A, %squeeze3A : f32
    %div3A = arith.constant 1.000000e+00 : f32
    %div3A_145 = arith.divf %div3A, %add3A_144 : f32
    %div3A_146 = arith.divf %squeeze3A, %add3A_144 : f32
    %eq3A = arith.constant 0 : i32
    %eq3A_147 = arith.cmpi eq, %arg0, %eq3A : i32
    %convert_element_type3A = arith.extui %eq3A_147 : i1 to i32
    %cond3A = arith.constant 0 : i32
    %cond3A_148 = arith.cmpi ne, %convert_element_type3A, %cond3A : i32
    scf.if %cond3A_148 {
      %dma_start3A = arith.constant 0 : i32
      %dma_start3A_164 = arith.constant 0 : i32
      %dma_start3A_165 = tpu.memref_slice %arg3[%select_n3A_54, %dma_start3A, %dma_start3A_164] : memref<8x1024x1024xf32, #tpu.memory_space<any>> -> memref<1x1024x1024xf32, #tpu.memory_space<any>>
      %dma_start3A_166 = tpu.memref_squeeze %dma_start3A_165 : memref<1x1024x1024xf32, #tpu.memory_space<any>> -> memref<1024x1024xf32, #tpu.memory_space<any>>
      tpu.enqueue_dma source(%dma_start3A_166 : memref<1024x1024xf32, #tpu.memory_space<any>>) target(%arg6 : memref<1024x1024xf32, #tpu.memory_space<vmem>>) target_semaphore(%arg10 : memref<!tpu.dma_semaphore, #tpu.memory_space<semaphore_mem>>)
      %dma_start3A_167 = arith.constant 0 : i32
      %dma_start3A_168 = arith.constant 0 : i32
      %dma_start3A_169 = tpu.memref_slice %arg3[%select_n3A_143, %dma_start3A_167, %dma_start3A_168] : memref<8x1024x1024xf32, #tpu.memory_space<any>> -> memref<1x1024x1024xf32, #tpu.memory_space<any>>
      %dma_start3A_170 = tpu.memref_squeeze %dma_start3A_169 : memref<1x1024x1024xf32, #tpu.memory_space<any>> -> memref<1024x1024xf32, #tpu.memory_space<any>>
      tpu.enqueue_dma source(%dma_start3A_170 : memref<1024x1024xf32, #tpu.memory_space<any>>) target(%arg7 : memref<1024x1024xf32, #tpu.memory_space<vmem>>) target_semaphore(%arg11 : memref<!tpu.dma_semaphore, #tpu.memory_space<semaphore_mem>>)
      %dma_wait3A = arith.constant 0 : i32
      %dma_wait3A_171 = arith.constant 0 : i32
      %dma_wait3A_172 = tpu.memref_slice %arg3[%select_n3A_54, %dma_wait3A, %dma_wait3A_171] : memref<8x1024x1024xf32, #tpu.memory_space<any>> -> memref<1x1024x1024xf32, #tpu.memory_space<any>>
      %dma_wait3A_173 = tpu.memref_squeeze %dma_wait3A_172 : memref<1x1024x1024xf32, #tpu.memory_space<any>> -> memref<1024x1024xf32, #tpu.memory_space<any>>
      tpu.wait_dma2 semaphore(%arg10 : memref<!tpu.dma_semaphore, #tpu.memory_space<semaphore_mem>>) src(%dma_wait3A_173 : memref<1024x1024xf32, #tpu.memory_space<any>>) dst(%arg6 : memref<1024x1024xf32, #tpu.memory_space<vmem>>)
      %dma_wait3A_174 = arith.constant 0 : i32
      %dma_wait3A_175 = arith.constant 0 : i32
      %dma_wait3A_176 = tpu.memref_slice %arg3[%select_n3A_143, %dma_wait3A_174, %dma_wait3A_175] : memref<8x1024x1024xf32, #tpu.memory_space<any>> -> memref<1x1024x1024xf32, #tpu.memory_space<any>>
      %dma_wait3A_177 = tpu.memref_squeeze %dma_wait3A_176 : memref<1x1024x1024xf32, #tpu.memory_space<any>> -> memref<1024x1024xf32, #tpu.memory_space<any>>
      tpu.wait_dma2 semaphore(%arg11 : memref<!tpu.dma_semaphore, #tpu.memory_space<semaphore_mem>>) src(%dma_wait3A_177 : memref<1024x1024xf32, #tpu.memory_space<any>>) dst(%arg7 : memref<1024x1024xf32, #tpu.memory_space<vmem>>)
      %get3A_178 = arith.constant 0 : index
      %get3A_179 = arith.constant 0 : index
      %get3A_180 = vector.load %arg6[%get3A_178, %get3A_179] : memref<1024x1024xf32, #tpu.memory_space<vmem>>, vector<1024x1024xf32>
      %mul3A = vector.broadcast %div3A_145 : f32 to vector<1024x1024xf32>
      %mul3A_181 = arith.mulf %mul3A, %get3A_180 : vector<1024x1024xf32>
      %get3A_182 = arith.constant 0 : index
      %get3A_183 = arith.constant 0 : index
      %get3A_184 = vector.load %arg7[%get3A_182, %get3A_183] : memref<1024x1024xf32, #tpu.memory_space<vmem>>, vector<1024x1024xf32>
      %mul3A_185 = vector.broadcast %div3A_146 : f32 to vector<1024x1024xf32>
      %mul3A_186 = arith.mulf %mul3A_185, %get3A_184 : vector<1024x1024xf32>
      %add3A_187 = arith.addf %mul3A_181, %mul3A_186 : vector<1024x1024xf32>
      %convert_element_type3A_188 = arith.truncf %add3A_187 : vector<1024x1024xf32> to vector<1024x1024xbf16>
      %swap3A_189 = arith.constant 0 : index
      %swap3A_190 = arith.constant 0 : index
      %swap3A_191 = vector.load %arg8[%swap3A_189, %swap3A_190] : memref<1024x1024xbf16, #tpu.memory_space<vmem>>, vector<1024x1024xbf16>
      tpu.vector_store %arg8[%swap3A_189, %swap3A_190], %convert_element_type3A_188 {strides = array<i32>} : memref<1024x1024xbf16, #tpu.memory_space<vmem>>, vector<1024x1024xbf16>,
      %broadcast_in_dim3A_192 = arith.constant 0.000000e+00 : f32
      %broadcast_in_dim3A_193 = vector.broadcast %broadcast_in_dim3A_192 : f32 to vector<1x1024xf32>
      %eq3A_194 = arith.constant 0 : i32
      %eq3A_195 = arith.cmpi eq, %select_n3A_54, %eq3A_194 : i32
      %eq3A_196 = arith.constant 0 : i32
      %eq3A_197 = arith.cmpi eq, %select_n3A_143, %eq3A_196 : i32
      %jit3A_198 = arith.constant 0.000000e+00 : f32
      %select_n3A_199 = arith.select %eq3A_197, %div3A_146, %jit3A_198 : f32
      %select_n3A_200 = arith.select %eq3A_195, %div3A_145, %select_n3A_199 : f32
      %get3A_201 = arith.constant 0 : index
      %get3A_202 = arith.constant 0 : index
      %get3A_203 = vector.load %arg4[%get3A_201, %get3A_202] : memref<8x1024xf32, #tpu.memory_space<vmem>>, vector<1x1024xf32>
      %get3A_204 = vector.shape_cast %get3A_203 : vector<1x1024xf32> to vector<1024xf32>
      %broadcast_in_dim3A_205 = vector.shape_cast %get3A_204 : vector<1024xf32> to vector<1x1024xf32>
      %mul3A_206 = vector.broadcast %select_n3A_200 : f32 to vector<1x1024xf32>
      %mul3A_207 = arith.mulf %mul3A_206, %broadcast_in_dim3A_205 : vector<1x1024xf32>
      %add3A_208 = arith.addf %broadcast_in_dim3A_193, %mul3A_207 : vector<1x1024xf32>
      %eq3A_209 = arith.constant 1 : i32
      %eq3A_210 = arith.cmpi eq, %select_n3A_54, %eq3A_209 : i32
      %eq3A_211 = arith.constant 1 : i32
      %eq3A_212 = arith.cmpi eq, %select_n3A_143, %eq3A_211 : i32
      %jit3A_213 = arith.constant 0.000000e+00 : f32
      %select_n3A_214 = arith.select %eq3A_212, %div3A_146, %jit3A_213 : f32
      %select_n3A_215 = arith.select %eq3A_210, %div3A_145, %select_n3A_214 : f32
      %get3A_216 = arith.constant 1 : index
      %get3A_217 = arith.constant 0 : index
      %get3A_218 = vector.load %arg4[%get3A_216, %get3A_217] : memref<8x1024xf32, #tpu.memory_space<vmem>>, vector<1x1024xf32>
      %get3A_219 = vector.shape_cast %get3A_218 : vector<1x1024xf32> to vector<1024xf32>
      %broadcast_in_dim3A_220 = vector.shape_cast %get3A_219 : vector<1024xf32> to vector<1x1024xf32>
      %mul3A_221 = vector.broadcast %select_n3A_215 : f32 to vector<1x1024xf32>
      %mul3A_222 = arith.mulf %mul3A_221, %broadcast_in_dim3A_220 : vector<1x1024xf32>
      %add3A_223 = arith.addf %add3A_208, %mul3A_222 : vector<1x1024xf32>
      %eq3A_224 = arith.constant 2 : i32
      %eq3A_225 = arith.cmpi eq, %select_n3A_54, %eq3A_224 : i32
      %eq3A_226 = arith.constant 2 : i32
      %eq3A_227 = arith.cmpi eq, %select_n3A_143, %eq3A_226 : i32
      %jit3A_228 = arith.constant 0.000000e+00 : f32
      %select_n3A_229 = arith.select %eq3A_227, %div3A_146, %jit3A_228 : f32
      %select_n3A_230 = arith.select %eq3A_225, %div3A_145, %select_n3A_229 : f32
      %get3A_231 = arith.constant 2 : index
      %get3A_232 = arith.constant 0 : index
      %get3A_233 = vector.load %arg4[%get3A_231, %get3A_232] : memref<8x1024xf32, #tpu.memory_space<vmem>>, vector<1x1024xf32>
      %get3A_234 = vector.shape_cast %get3A_233 : vector<1x1024xf32> to vector<1024xf32>
      %broadcast_in_dim3A_235 = vector.shape_cast %get3A_234 : vector<1024xf32> to vector<1x1024xf32>
      %mul3A_236 = vector.broadcast %select_n3A_230 : f32 to vector<1x1024xf32>
      %mul3A_237 = arith.mulf %mul3A_236, %broadcast_in_dim3A_235 : vector<1x1024xf32>
      %add3A_238 = arith.addf %add3A_223, %mul3A_237 : vector<1x1024xf32>
      %eq3A_239 = arith.constant 3 : i32
      %eq3A_240 = arith.cmpi eq, %select_n3A_54, %eq3A_239 : i32
      %eq3A_241 = arith.constant 3 : i32
      %eq3A_242 = arith.cmpi eq, %select_n3A_143, %eq3A_241 : i32
      %jit3A_243 = arith.constant 0.000000e+00 : f32
      %select_n3A_244 = arith.select %eq3A_242, %div3A_146, %jit3A_243 : f32
      %select_n3A_245 = arith.select %eq3A_240, %div3A_145, %select_n3A_244 : f32
      %get3A_246 = arith.constant 3 : index
      %get3A_247 = arith.constant 0 : index
      %get3A_248 = vector.load %arg4[%get3A_246, %get3A_247] : memref<8x1024xf32, #tpu.memory_space<vmem>>, vector<1x1024xf32>
      %get3A_249 = vector.shape_cast %get3A_248 : vector<1x1024xf32> to vector<1024xf32>
      %broadcast_in_dim3A_250 = vector.shape_cast %get3A_249 : vector<1024xf32> to vector<1x1024xf32>
      %mul3A_251 = vector.broadcast %select_n3A_245 : f32 to vector<1x1024xf32>
      %mul3A_252 = arith.mulf %mul3A_251, %broadcast_in_dim3A_250 : vector<1x1024xf32>
      %add3A_253 = arith.addf %add3A_238, %mul3A_252 : vector<1x1024xf32>
      %eq3A_254 = arith.constant 4 : i32
      %eq3A_255 = arith.cmpi eq, %select_n3A_54, %eq3A_254 : i32
      %eq3A_256 = arith.constant 4 : i32
      %eq3A_257 = arith.cmpi eq, %select_n3A_143, %eq3A_256 : i32
      %jit3A_258 = arith.constant 0.000000e+00 : f32
      %select_n3A_259 = arith.select %eq3A_257, %div3A_146, %jit3A_258 : f32
      %select_n3A_260 = arith.select %eq3A_255, %div3A_145, %select_n3A_259 : f32
      %get3A_261 = arith.constant 4 : index
      %get3A_262 = arith.constant 0 : index
      %get3A_263 = vector.load %arg4[%get3A_261, %get3A_262] : memref<8x1024xf32, #tpu.memory_space<vmem>>, vector<1x1024xf32>
      %get3A_264 = vector.shape_cast %get3A_263 : vector<1x1024xf32> to vector<1024xf32>
      %broadcast_in_dim3A_265 = vector.shape_cast %get3A_264 : vector<1024xf32> to vector<1x1024xf32>
      %mul3A_266 = vector.broadcast %select_n3A_260 : f32 to vector<1x1024xf32>
      %mul3A_267 = arith.mulf %mul3A_266, %broadcast_in_dim3A_265 : vector<1x1024xf32>
      %add3A_268 = arith.addf %add3A_253, %mul3A_267 : vector<1x1024xf32>
      %eq3A_269 = arith.constant 5 : i32
      %eq3A_270 = arith.cmpi eq, %select_n3A_54, %eq3A_269 : i32
      %eq3A_271 = arith.constant 5 : i32
      %eq3A_272 = arith.cmpi eq, %select_n3A_143, %eq3A_271 : i32
      %jit3A_273 = arith.constant 0.000000e+00 : f32
      %select_n3A_274 = arith.select %eq3A_272, %div3A_146, %jit3A_273 : f32
      %select_n3A_275 = arith.select %eq3A_270, %div3A_145, %select_n3A_274 : f32
      %get3A_276 = arith.constant 5 : index
      %get3A_277 = arith.constant 0 : index
      %get3A_278 = vector.load %arg4[%get3A_276, %get3A_277] : memref<8x1024xf32, #tpu.memory_space<vmem>>, vector<1x1024xf32>
      %get3A_279 = vector.shape_cast %get3A_278 : vector<1x1024xf32> to vector<1024xf32>
      %broadcast_in_dim3A_280 = vector.shape_cast %get3A_279 : vector<1024xf32> to vector<1x1024xf32>
      %mul3A_281 = vector.broadcast %select_n3A_275 : f32 to vector<1x1024xf32>
      %mul3A_282 = arith.mulf %mul3A_281, %broadcast_in_dim3A_280 : vector<1x1024xf32>
      %add3A_283 = arith.addf %add3A_268, %mul3A_282 : vector<1x1024xf32>
      %eq3A_284 = arith.constant 6 : i32
      %eq3A_285 = arith.cmpi eq, %select_n3A_54, %eq3A_284 : i32
      %eq3A_286 = arith.constant 6 : i32
      %eq3A_287 = arith.cmpi eq, %select_n3A_143, %eq3A_286 : i32
      %jit3A_288 = arith.constant 0.000000e+00 : f32
      %select_n3A_289 = arith.select %eq3A_287, %div3A_146, %jit3A_288 : f32
      %select_n3A_290 = arith.select %eq3A_285, %div3A_145, %select_n3A_289 : f32
      %get3A_291 = arith.constant 6 : index
      %get3A_292 = arith.constant 0 : index
      %get3A_293 = vector.load %arg4[%get3A_291, %get3A_292] : memref<8x1024xf32, #tpu.memory_space<vmem>>, vector<1x1024xf32>
      %get3A_294 = vector.shape_cast %get3A_293 : vector<1x1024xf32> to vector<1024xf32>
      %broadcast_in_dim3A_295 = vector.shape_cast %get3A_294 : vector<1024xf32> to vector<1x1024xf32>
      %mul3A_296 = vector.broadcast %select_n3A_290 : f32 to vector<1x1024xf32>
      %mul3A_297 = arith.mulf %mul3A_296, %broadcast_in_dim3A_295 : vector<1x1024xf32>
      %add3A_298 = arith.addf %add3A_283, %mul3A_297 : vector<1x1024xf32>
      %eq3A_299 = arith.constant 7 : i32
      %eq3A_300 = arith.cmpi eq, %select_n3A_54, %eq3A_299 : i32
      %eq3A_301 = arith.constant 7 : i32
      %eq3A_302 = arith.cmpi eq, %select_n3A_143, %eq3A_301 : i32
      %jit3A_303 = arith.constant 0.000000e+00 : f32
      %select_n3A_304 = arith.select %eq3A_302, %div3A_146, %jit3A_303 : f32
      %select_n3A_305 = arith.select %eq3A_300, %div3A_145, %select_n3A_304 : f32
      %get3A_306 = arith.constant 7 : index
      %get3A_307 = arith.constant 0 : index
      %get3A_308 = vector.load %arg4[%get3A_306, %get3A_307] : memref<8x1024xf32, #tpu.memory_space<vmem>>, vector<1x1024xf32>
      %get3A_309 = vector.shape_cast %get3A_308 : vector<1x1024xf32> to vector<1024xf32>
      %broadcast_in_dim3A_310 = vector.shape_cast %get3A_309 : vector<1024xf32> to vector<1x1024xf32>
      %mul3A_311 = vector.broadcast %select_n3A_305 : f32 to vector<1x1024xf32>
      %mul3A_312 = arith.mulf %mul3A_311, %broadcast_in_dim3A_310 : vector<1x1024xf32>
      %add3A_313 = arith.addf %add3A_298, %mul3A_312 : vector<1x1024xf32>
      %swap3A_314 = arith.constant 0 : index
      %swap3A_315 = arith.constant 0 : index
      %swap3A_316 = vector.load %arg9[%swap3A_314, %swap3A_315] : memref<1x1024xf32, #tpu.memory_space<vmem>>, vector<1x1024xf32>
      tpu.vector_store %arg9[%swap3A_314, %swap3A_315], %add3A_313 {strides = array<i32>} : memref<1x1024xf32, #tpu.memory_space<vmem>>, vector<1x1024xf32>,
    } else {
    }
    %get3A_149 = arith.constant 0 : index
    %get3A_150 = arith.constant 0 : index
    %get3A_151 = vector.load %arg2[%get3A_149, %get3A_150] : memref<512x1024xf32, #tpu.memory_space<vmem>>, vector<512x1024xf32>
    %convert_element_type3A_152 = arith.truncf %get3A_151 : vector<512x1024xf32> to vector<512x1024xbf16>
    %get3A_153 = arith.constant 0 : index
    %get3A_154 = arith.constant 0 : index
    %get3A_155 = vector.load %arg8[%get3A_153, %get3A_154] : memref<1024x1024xbf16, #tpu.memory_space<vmem>>, vector<1024x1024xbf16>
    %dot_general3A = arith.constant dense<0.000000e+00> : vector<512x1024xf32>
    %dot_general3A_156 = tpu.matmul %convert_element_type3A_152, %get3A_155, %dot_general3A {dimension_numbers = #tpu.dot_dimension_numbers<[1], [1], [0], [0], [0, 0, 1, 0], [], []>, transpose_lhs_hint = false} : vector<512x1024xbf16>, vector<1024x1024xbf16>, vector<512x1024xf32> -> vector<512x1024xf32>
    %get3A_157 = arith.constant 0 : index
    %get3A_158 = arith.constant 0 : index
    %get3A_159 = vector.load %arg9[%get3A_157, %get3A_158] : memref<1x1024xf32, #tpu.memory_space<vmem>>, vector<1x1024xf32>
    %add3A_160 = vector.broadcast %get3A_159 : vector<1x1024xf32> to vector<512x1024xf32>
    %add3A_161 = arith.addf %dot_general3A_156, %add3A_160 : vector<512x1024xf32>
    %swap3A = arith.constant 0 : index
    %swap3A_162 = arith.constant 0 : index
    %swap3A_163 = vector.load %arg5[%swap3A, %swap3A_162] : memref<512x1024xf32, #tpu.memory_space<vmem>>, vector<512x1024xf32>
    tpu.vector_store %arg5[%swap3A, %swap3A_162], %add3A_161 {strides = array<i32>} : memref<512x1024xf32, #tpu.memory_space<vmem>>, vector<512x1024xf32>,
    return
  }
  func.func @transform_0(%arg0: i32) -> i32 {
    %c0_i32 = arith.constant 0 : i32
    %c0_i32_0 = arith.constant 0 : i32
    return %c0_i32 : i32
  }
  func.func @transform_1(%arg0: i32) -> (i32, i32) {
    %c0_i32 = arith.constant 0 : i32
    %c0_i32_0 = arith.constant 0 : i32
    return %arg0, %c0_i32 : i32, i32
  }
  func.func @transform_3(%arg0: i32) -> (i32, i32) {
    %c0_i32 = arith.constant 0 : i32
    %c0_i32_0 = arith.constant 0 : i32
    %c0_i32_1 = arith.constant 0 : i32
    return %c0_i32, %c0_i32_0 : i32, i32
  }
  func.func @transform_4(%arg0: i32) -> (i32, i32) {
    %c0_i32 = arith.constant 0 : i32
    %c0_i32_0 = arith.constant 0 : i32
    return %arg0, %c0_i32 : i32, i32
  }
}

</mosaic_0001>

<sc_bundles>
// kernel: kernel.4.cloned.1.call-start
scs
__scs_entry_jumppad:
0x0: {  	(pc) =	sbr.rel $0x88, $3  }
0x1: {  	(tag) =	ssettag $0x0;
	lr =	simm.s32 $0x1  }
0x2: {  	[smem:$0x3F9D] =	sst lr;
	_ =	strace $0xD0000000  }
0x3: {  	_ = 	snop  }
0x4: {  	_ = 	snop  }
0x5: {  	_ = 	snop  }
0x6: {  	_ = 	snop  }
0x7: {  	_ = 	snop  }
__scs_overlays_trampoline_lowered:
0x8: {  	[smem:$0x3FAC] =	sst s0  }
0x9: {  	[smem:$0x3FAD] =	sst s1  }
0xa: {  	[smem:$0x3FAE] =	sst s2  }
0xb: {  	[smem:$0x3FAF] =	sst s3  }
0xc: {  	[smem:$0x3FB0] =	sst s4  }
0xd: {  	[smem:$0x3FB1] =	sst s5  }
0xe: {  	[smem:$0x3FB2] =	sst s6  }
0xf: {  	[smem:$0x3FB3] =	sst s7  }
0x10: {  	[smem:$0x3FB4] =	sst s8  }
0x11: {  	[smem:$0x3FB5] =	sst s9;
	s0 =	simm.s32 @!p0 $0x0  }
0x12: {  	s1 =	sld [smem:$0x3F9B];
	s0 =	simm.s32 @p0 $0x1  }
0x13: {  	[smem:$0x3FB6] =	sst s0;
	s0 =	simm.s32 @!p1 $0x0  }
0x14: {  	s2 =	sld [smem:$0x3F9A];
	s0 =	simm.s32 @p1 $0x1  }
0x15: {  	[smem:$0x3FB7] =	sst s0;
	s0 =	simm.s32 @!p2 $0x0  }
0x16: {  	s3 =	sld [smem:$0x3FDB];
	s0 =	simm.s32 @p2 $0x1  }
0x17: {  	s4 =	simm.s32 $0x1BF5;
	[smem:$0x3FB9] =	sst s0  }
0x18: {  	s0 =	sld [smem:$0x3F9C];
	_ =	swait.ge [sflag:s4], $0x0  }
0x19: {  	s7 =	sld [smem:$0x3F9D]  }
0x1a: {  	s8 =	sadd.s32 $0xFFFFE003, lr  }
0x1b: {  	s9 =	sadd.s32 $0xFFFFFEF7, lr;
	s5 =	simm.s32 $0xFFFFFFFF;
	p2 =	slt.u32 s8, $0xFFFFF086  }
0x1c: {  	p1 =	slt.u32 s9, $0xF7A;
	s5 =	simm.s32 @!p2 $0x0  }
0x1d: {  	s5 =	simm.s32 @p1 $0x1;
	p0 =	seq.s32 s7, s2  }
0x1e: {  	s7 =	smul.u32 @!p0 $0xF7A, s2;
	p2 =	seq.s32 @!p0 s5, $0x0  }
0x1f: {  	s9 =	smul.u32 $0xF7A, s1;
	s8 =	simm.s32 @!p0 $0x1BF5;
	p2 =	por !p2, p0  }
0x20: {  	[sflag:s8] =	ssyncset.s32 @!p0 $0xFFFFF086;
	s6 =	sadd.s32 @!p0 s3, s7;
	s7 =	simm.s32 @!p0 $0x108  }
0x21: {  	s3 =	sadd.s32 s3, s9;
	s6 =	sadd.s32 @!p0 $0x88, s6;
	s7 =	simm.s32 @p2 $0x1082  }
0x22: {  	[simem:s7], [sflag:s8] =	dma.local @!p0 [hbm:s6], $0xF7A  }
0x23: {  	s9 =	sor.u32 $0xD0000000, s2;
	s6 =	simm.s32 $0x108;
	_ =	swait.ge @!p0 [sflag:s8], $0x0  }
0x24: {  	s3 =	sadd.s32 $0x88, s3;
	s6 =	simm.s32 @!p1 $0x1082;
	[sflag:s4] =	ssyncset.s32 $0xFFFFF086  }
0x25: {  	[simem:s6], [sflag:s4] =	dma.local [hbm:s3], $0xF7A  }
0x26: {  	[smem:$0x3F9D] =	sst s1;
	(tag) =	ssettag s2;
	_ =	strace s9  }
0x27: {  	s1 =	sld [smem:$0x3FAD]  }
0x28: {  	s2 =	sld [smem:$0x3FAE]  }
0x29: {  	s4 =	sld [smem:$0x3FB0]  }
0x2a: {  	p0 =	seq.s32 s5, $0x0;
	s5 =	sld [smem:$0x3FB1]  }
0x2b: {  	s6 =	sld [smem:$0x3FB2]  }
0x2c: {  	s7 =	sld [smem:$0x3FB3]  }
0x2d: {  	s3 =	simm.s32 $0x108;
	s8 =	sld [smem:$0x3FB4]  }
0x2e: {  	s3 =	simm.s32 @!p0 $0x1082;
	s9 =	sld [smem:$0x3FB5]  }
0x2f: {  	lr =	sadd.s32 s0, s3;
	s0 =	sld [smem:$0x3FAC]  }
0x30: {  	s3 =	sld [smem:$0x3FAF]  }
0x31: {  	[smem:$0x3FB8] =	sst s10  }
0x32: {  	s10 =	sld [smem:$0x3FB6];
	_ =	sdelay $0x3  }
0x33: {  	p0 =	seq.s32 s10, $0x1;
	s10 =	sld [smem:$0x3FB8];
	_ =	sdelay $0x3  }
0x34: {  	[smem:$0x3FB8] =	sst s10  }
0x35: {  	s10 =	sld [smem:$0x3FB7];
	_ =	sdelay $0x3  }
0x36: {  	p1 =	seq.s32 s10, $0x1;
	s10 =	sld [smem:$0x3FB8];
	_ =	sdelay $0x3  }
0x37: {  	[smem:$0x3FB8] =	sst s10  }
0x38: {  	s10 =	sld [smem:$0x3FB9]  }
0x39: {  	_ = 	snop;
	(pc) =	sbr.ind lr, $3  }
0x3a: {  	_ = 	snop  }
0x3b: {  	_ = 	snop  }
0x3c: {  	p2 =	seq.s32 s10, $0x1;
	s10 =	sld [smem:$0x3FB8]  }
0x3d: {  	_ =	shalt  }
0x3e: {  	_ =	shalt  }
0x3f: {  	_ =	shalt  }
0x40: {  	_ =	shalt  }
0x41: {  	_ =	shalt  }
0x42: {  	_ =	shalt  }
0x43: {  	_ =	shalt  }
0x44: {  	_ =	shalt  }
0x45: {  	_ =	shalt  }
0x46: {  	_ =	shalt  }
0x47: {  	_ =	shalt  }
0x48: {  	_ =	shalt  }
0x49: {  	_ =	shalt  }
0x4a: {  	_ =	shalt  }
0x4b: {  	_ =	shalt  }
0x4c: {  	_ =	shalt  }
0x4d: {  	_ =	shalt  }
0x4e: {  	_ =	shalt  }
0x4f: {  	_ =	shalt  }
0x50: {  	_ =	shalt  }
0x51: {  	_ =	shalt  }
0x52: {  	_ =	shalt  }
0x53: {  	_ =	shalt  }
0x54: {  	_ =	shalt  }
0x55: {  	_ =	shalt  }
0x56: {  	_ =	shalt  }
0x57: {  	_ =	shalt  }
0x58: {  	_ =	shalt  }
0x59: {  	_ =	shalt  }
0x5a: {  	_ =	shalt  }
0x5b: {  	_ =	shalt  }
0x5c: {  	_ =	shalt  }
0x5d: {  	_ =	shalt  }
0x5e: {  	_ =	shalt  }
0x5f: {  	_ =	shalt  }
0x60: {  	_ =	shalt  }
0x61: {  	_ =	shalt  }
0x62: {  	_ =	shalt  }
0x63: {  	_ =	shalt  }
0x64: {  	_ =	shalt  }
0x65: {  	_ =	shalt  }
0x66: {  	_ =	shalt  }
0x67: {  	_ =	shalt  }
0x68: {  	_ =	shalt  }
0x69: {  	_ =	shalt  }
0x6a: {  	_ =	shalt  }
0x6b: {  	_ =	shalt  }
0x6c: {  	_ =	shalt  }
0x6d: {  	_ =	shalt  }
0x6e: {  	_ =	shalt  }
0x6f: {  	_ =	shalt  }
0x70: {  	_ =	shalt  }
0x71: {  	_ =	shalt  }
0x72: {  	_ =	shalt  }
0x73: {  	_ =	shalt  }
0x74: {  	_ =	shalt  }
0x75: {  	_ =	shalt  }
0x76: {  	_ =	shalt  }
0x77: {  	_ =	shalt  }
0x78: {  	_ =	shalt  }
0x79: {  	_ =	shalt  }
0x7a: {  	_ =	shalt  }
0x7b: {  	_ =	shalt  }
0x7c: {  	_ =	shalt  }
0x7d: {  	_ =	shalt  }
0x7e: {  	_ =	shalt  }
0x7f: {  	_ =	shalt  }
0x80: {  	_ =	shalt  }
0x81: {  	_ =	shalt  }
0x82: {  	_ =	shalt  }
0x83: {  	_ =	shalt  }
0x84: {  	_ =	shalt  }
0x85: {  	_ =	shalt  }
0x86: {  	_ =	shalt  }
0x87: {  	_ =	shalt  }
.Lfunc_end0:
.L_simem_size_0:
called_computation_lowered:
.L_overlay_start_0:
0x88: {  	s2 =	sld [smem:$0x3FD9]  }
0x89: {  	s3 =	sld [smem:$0x3FFE];
	_ =	sdelay $0x1  }
0x8a: {  	s1 =	srdreg.scid  }
0x8b: {  	s0 =	sand.u32 $0x1, s1  }
0x8c: {  	s14 =	sshll.u32 s0, $0xA;
	s2 =	sadd.s32 s3, s2  }
0x8d: {  	s2 =	sadd.s32 s2, s14  }
0x8e: {  	[smem:$0x3FC4] =	sst s2  }
0x8f: {  	_ = 	snop  }
0x90: {  	s2 =	sld [smem:$0x3FD0];
	_ =	sdelay $0x2  }
0x91: {  	s15 =	simm.s32 $0xA;
	s4 =	simm.s32 $0x10  }
0x92: {  	[smem:s4], [sflag:s15] =	dma.local [hbm:s2], $0x1  }
0x93: {  	_ =	swait.eq [sflag:s15], $0x1  }
0x94: {  	[sflag:s15] =	ssyncset.done $0x0  }
0x95: {  	[sflag:s15] =	ssyncadd.s32 $0xFFFFFFFF  }
0x96: {  	s16 =	sld [smem:$0x11];
	(tm) =	ssettm $0x1  }
0x97: {  	s17 =	sld [smem:$0x3FFB];
	_ =	sdelay $0x3  }
0x98: {  	_ =	strace s17  }
0x99: {  	s3 =	sld [smem:$0x3FFC];
	_ =	sdelay $0x3  }
0x9a: {  	_ =	strace s3  }
0x9b: {  	s3 =	sld [smem:$0x3FFD];
	_ =	sdelay $0x3  }
0x9c: {  	_ =	strace s3  }
0x9d: {  	_ =	strace $0x8FFFFFFF  }
0x9e: {  	s18 =	sld [smem:$0x3FDB];
	_ =	sdelay $0x1  }
0x9f: {  	s19 =	simm.s32 $_scs_section_size  }
0xa0: {  	s5 =	simm.s32 $_size__tile_overlayer_lowered;
	s6 =	simm.s32 $_tile_overlayer_lowered  }
0xa1: {  	s22 =	simm.s32 $0x1BFF;
	s21 =	sshll.u32 s6, $0x1;
	s3 =	sadd.s32 s19, s18  }
0xa2: {  	s7 =	simm.s32 $0x0;
	s20 =	sshll.u32 s5, $0x1;
	s5 =	sadd.s32 s21, s3  }
0xa3: {  	[timem:s7], [sflag:s22] =	dma.local [hbm:s5], s20  }
0xa4: {  	_ =	swait.ge [sflag:s22], s20  }
0xa5: {  	s4 =	ssub.s32 $0x0, s20;
	[sflag:s22] =	ssyncset.done $0x0  }
0xa6: {  	[sflag:s22] =	ssyncadd.s32 s4;
	_ =	sdelay $0x1  }
0xa7: {  	s23 =	simm.s32 $0x1B8B  }
0xa8: {  	_ =	swait.ge [sflag:s23], $0x1  }
0xa9: {  	[sflag:s23] =	ssyncset.done $0x0  }
0xaa: {  	s25 =	simm.s32 $0x1B8E;
	s24 =	sld [smem:$0x3FFE];
	[sflag:s23] =	ssyncadd.s32 $0xFFFFFFFF  }
0xab: {  	s26 =	simm.s32 $execute0_lowered;
	[smem:$0x3FD2] =	sst s25  }
0xac: {  	s5 =	sshll.u32 s26, $0x1;
	_ =	strace $0x80000046;
	[dreg:$0x1] =	wrdreg $0xFFFFFFFF  }
0xad: {  	s28 =	simm.s32 $_size_execute0_lowered;
	s3 =	sadd.s32 s3, s5;
	[dreg:$0x0] =	wrdreg $0x0  }
0xae: {  	s5 =	sshll.u32 s28, $0x1;
	[dreg:$0x2] =	wrdreg s3  }
0xaf: {  	[dreg:$0x3] =	wrdreg s5  }
0xb0: {  	[dreg:$0x4] =	wrdreg $0xC0  }
0xb1: {  	_ =	task [dreg:s7], $0x5FFFF  }
0xb2: {  	[dreg:$0x1] =	wrdreg $0xFFFFFFFF  }
0xb3: {  	[dreg:$0x0] =	wrdreg $0x60  }
0xb4: {  	[dreg:$0x2] =	wrdreg s24  }
0xb5: {  	[dreg:$0x3] =	wrdreg s16  }
0xb6: {  	[dreg:$0x4] =	wrdreg $0x9  }
0xb7: {  	_ =	task.clear_ibuf [dreg:s7], $0x5FFFF;
	_ =	strace $0x90000046  }
0xb8: {  	s29 =	simm.s32 $0x9;
	_ =	strace $0x80000048  }
0xb9: {  	_ =	swait.ge [sflag:s29], $0x1  }
0xba: {  	[sflag:s29] =	ssyncadd.s32 $0xFFFFFFFF  }
0xbb: {  	_ =	strace $0x90000048  }
0xbc: {  	_ =	sfence  }
0xbd: {  	s30 =	sld [smem:$0x0];
	_ =	sdelay $0x2  }
0xbe: {  	s31 =	sshll.u32 s1, $0xD;
	s1 =	sshrl.u32 s1, $0x2  }
0xbf: {  	s3 =	sand.u32 $0x4000, s31;
	s1 =	sadd.s32 s1, s30  }
0xc0: {  	s0 =	sor.u32 s3, s0;
	s1 =	sshll.u32 s1, $0x11  }
0xc1: {  	s0 =	sor.u32 s1, s0  }
0xc2: {  	s0 =	sadd.s32 $0x8F2B, s0  }
0xc3: {  	[sflag:s0] =	ssyncadd.remote.s32 $0x1  }
0xc4: {  	_ =	sfence.sel $0xFFFF  }
0xc5: {  	[dreg:$0x0] =	wrdreg $0xFFFFFFFF;
	(pc) =	sbr.abs _section_cstart, $3  }
0xc6: {  	[dreg:$0x1] =	wrdreg $0xFFFFFFFF  }
0xc7: {  	_ =	task.clear_ibuf [dreg:s7], $0x2FFFF;
	_ =	strace $0x9FFFFFFF  }
0xc8: {  	(tm) =	ssettm $0x7FFFFFFF  }
0xc9: {  	_ =	shalt  }
tec
execute0_lowered:
.L_overlay_start_1:
0x0: {  	(tag) =	ssettag $0x1  }
0x1: {  	s2 =	rddreg [dreg:$0x0]  }
0x2: {  	s1 =	rddreg [dreg:$0x1]  }
0x3: {  	s0 =	rddreg [dreg:$0x2];
	_ =	strace $0x80000047  }
0x4: {  	s3 =	simm.s32 $0x0;
	s4 =	simm.s32 $0x1;
	s2 =	sadd.s32 $0x800, s2  }
0x5: {  	[tilespmem:s3], [sflag:$0x1] =	stream.linear.gather [hbm4b:s2+s3], $0x80, $0x38;
	[tilespmem:$0x100] =	vst v63  }
0x6: {  	v0 =	vimm.s32 $0xEFCDAB89;
	v1 =	vimm.s32 $0x67452301;
	v2 =	vimm.s32 $0xDCFE98BA;
	_ =	swait.ge [sflag:s4], $0x80  }
0x7: {  	v3 =	vimm.s32 $0x54761032;
	v0 =	vunpack.c.l.s4.s8 v0;
	v1 =	vunpack.c.l.s4.s8 v1;
	[sflag:s4] =	ssyncset.done $0x0  }
0x8: {  	v2 =	vunpack.c.l.s4.s8 v2;
	v3 =	vunpack.c.l.s4.s8 v3;
	[sflag:s4] =	ssyncadd.s32 $0xFFFFFF80  }
0x9: {  	v0 =	vunpack.c.0.s8.s32 v0;
	v1 =	vunpack.c.0.s8.s32 v1;
	v5 =	vld [tilespmem:$0x0]  }
0xa: {  	v2 =	vunpack.c.0.s8.s32 v2;
	v3 =	vunpack.c.0.s8.s32 v3  }
0xb: {  	v0 =	vcombine.low v1, v0  }
0xc: {  	v1 =	vcombine.low v3, v2;
	v2 =	vimm.s32 $0xBA98FEDC;
	v3 =	vimm.s32 $0x32107654  }
0xd: {  	v2 =	vunpack.c.l.s4.s8 v2;
	v3 =	vunpack.c.l.s4.s8 v3;
	v0 =	vand.u32 $0xF, v0  }
0xe: {  	v6 =	vimm.s32 $0xFEDCBA98;
	v4 =	vperm.xlane v5, v0  }
0xf: {  	v7 =	vimm.s32 $0x76543210;
	v2 =	vunpack.c.0.s8.s32 v2;
	v3 =	vunpack.c.0.s8.s32 v3  }
0x10: {  	v6 =	vunpack.c.l.s4.s8 v6;
	v1 =	vand.u32 $0xF, v1;
	v4 =	vmax.f32 v5, v4  }
0x11: {  	v2 =	vcombine.low v3, v2;
	v3 =	vunpack.c.l.s4.s8 v7;
	v7 =	vperm.xlane v4, v1  }
0x12: {  	v6 =	vunpack.c.0.s8.s32 v6  }
0x13: {  	v2 =	vand.u32 $0xF, v2;
	v3 =	vunpack.c.0.s8.s32 v3;
	v4 =	vmax.f32 v4, v7  }
0x14: {  	v6 =	vand.u32 $0xF, v6;
	v7 =	vperm.xlane v4, v2  }
0x15: {  	v3 =	vcombine.low v6, v3  }
0x16: {  	v4 =	vmax.f32 v4, v7  }
0x17: {  	v6 =	vperm.xlane v4, v3;
	_ =	sdelay $0x1  }
0x18: {  	v6 =	vmax.f32 v4, v6  }
0x19: {  	v4 =	vlaneseq.u32;
	vm0 =	veq.f32 v5, v6  }
0x1a: {  	v7 =	vnsel vm0, $0x10, v4  }
0x1b: {  	v8 =	vperm.xlane v7, v0;
	_ =	sdelay $0x1  }
0x1c: {  	vm0 =	vlt.s32 v7, v8  }
0x1d: {  	v7 =	vsel vm0, v7, v8  }
0x1e: {  	v8 =	vperm.xlane v7, v1;
	_ =	sdelay $0x1  }
0x1f: {  	vm0 =	vlt.s32 v7, v8  }
0x20: {  	v7 =	vsel vm0, v7, v8  }
0x21: {  	v8 =	vperm.xlane v7, v2;
	_ =	sdelay $0x1  }
0x22: {  	vm0 =	vlt.s32 v7, v8  }
0x23: {  	v7 =	vsel vm0, v7, v8  }
0x24: {  	v8 =	vperm.xlane v7, v3;
	_ =	sdelay $0x1  }
0x25: {  	vm0 =	vlt.s32 v7, v8  }
0x26: {  	v7 =	vsel vm0, v7, v8  }
0x27: {  	vm0 =	veq.s32 v7, v4  }
0x28: {  	v5 =	vsel vm0, $0xFF800000, v5  }
0x29: {  	v7 =	vperm.xlane v5, v0;
	_ =	sdelay $0x1  }
0x2a: {  	v7 =	vmax.f32 v5, v7  }
0x2b: {  	v61 =	vperm.xlane v7, v1;
	_ =	sdelay $0x1  }
0x2c: {  	v7 =	vmax.f32 v7, v61  }
0x2d: {  	v8 =	vperm.xlane v7, v2;
	_ =	sdelay $0x1  }
0x2e: {  	v7 =	vmax.f32 v7, v8  }
0x2f: {  	v8 =	vperm.xlane v7, v3;
	_ =	sdelay $0x1  }
0x30: {  	v7 =	vmax.f32 v7, v8  }
0x31: {  	v6 =	vsub.f32 v7, v6;
	_ =	sdelay $0x1  }
0x32: {  	v6 =	vmul.f32 $1.442695020e+00, v6;
	_ =	sdelay $0x1  }
0x33: {  	(erf) = vpow2.f32 v6;
	_ =	sdelay $0x4  }
0x34: {  	vm1 =	veq.f32 v5, v7  }
0x35: {  	v5 =	vnsel vm1, $0x10, v4  }
0x36: {  	v6 =	vperm.xlane v5, v0;
	_ =	sdelay $0x1  }
0x37: {  	vm1 =	vlt.s32 v5, v6;
	v7 =	vpop (erf)  }
0x38: {  	v5 =	vsel vm1, v5, v6;
	v6 =	vadd.f32 $1.000000000e+00, v7  }
0x39: {  	v62 =	vperm.xlane v5, v1  }
0x3a: {  	(erf) = vrcp.f32 v6  }
0x3b: {  	vm1 =	vlt.s32 v5, v62  }
0x3c: {  	v5 =	vsel vm1, v5, v62  }
0x3d: {  	v6 =	vperm.xlane v5, v2;
	_ =	sdelay $0x1  }
0x3e: {  	s5 =	srdreg.scid;
	vm1 =	vlt.s32 v5, v6  }
0x3f: {  	s6 =	sand.u32 $0x1, s5;
	v5 =	vsel vm1, v5, v6  }
0x40: {  	s7 =	ssub.s32 $0x2, s6;
	v6 =	vperm.xlane v5, v3  }
0x41: {  	s8 =	sshrl.u32 s7, $0x1  }
0x42: {  	s5 =	stileid.u32;
	s7 =	ssub.s32 s7, s8;
	vm1 =	vlt.s32 v5, v6;
	v63 =	vpop (erf)  }
0x43: {  	s6 =	sor.u32 s5, s6;
	s7 =	smax.u32 s7, $0x1;
	v5 =	vsel vm1, v5, v6;
	v6 =	vmul.f32 v63, v7  }
0x44: {  	p0 =	sne.s32 s6, $0x0;
	s6 =	sadd.s32 $0xFFFFFFFF, s7;
	vm1 =	veq.s32 v5, v4  }
0x45: {  	p1 =	sne.s32 s6, $0x0;
	v5 =	vnsel vm1, $0x0, v6  }
.Ltmp0:
0x46: {  	v5 =	vsel vm0, v63, v5;
	(pc) =	sbr.rel @!p1 .LBB2_2-.Ltmp0, $4  }
0x47: {  	s8 =	simm.s32 @!p0 $0x0;
	s9 =	simm.s32 @!p0 $0x80;
	s7 =	simm.s32 @!p0 $0x1;
	[tilespmem:$0x80] =	vst v5  }
0x48: {  	[hbm4b:s1+s8] =	stream.linear.scatter @!p0 [tilespmem:s9], [sflag:$0x1], $0x80, $0x38;
	[tilespmem:$0x100] =	vst v63  }
0x49: {  	_ =	swait.ge @!p0 [sflag:s7], $0x80  }
0x4a: {  	[sflag:s7] =	ssyncset.done @!p0 $0x0  }
.LBB2_1:
0x4b: {  	s6 =	sadd.s32 $0xFFFFFFFF, s6;
	[sflag:s7] =	ssyncadd.s32 @!p0 $0xFFFFFF80  }
0x4c: {  	[tilespmem:s3], [sflag:$0x1] =	stream.linear.gather [hbm4b:s2+s3], $0x80, $0x38;
	[tilespmem:$0x100] =	vst v63  }
0x4d: {  	p1 =	sne.s32 s6, $0x0;
	_ =	swait.ge [sflag:s4], $0x80  }
0x4e: {  	[sflag:s4] =	ssyncset.done $0x0  }
0x4f: {  	[sflag:s4] =	ssyncadd.s32 $0xFFFFFF80  }
0x50: {  	v5 =	vld [tilespmem:$0x0];
	_ =	sdelay $0x4  }
0x51: {  	v6 =	vperm.xlane v5, v0;
	_ =	sdelay $0x1  }
0x52: {  	v6 =	vmax.f32 v5, v6  }
0x53: {  	v7 =	vperm.xlane v6, v1;
	_ =	sdelay $0x1  }
0x54: {  	v6 =	vmax.f32 v6, v7  }
0x55: {  	v7 =	vperm.xlane v6, v2;
	_ =	sdelay $0x1  }
0x56: {  	v6 =	vmax.f32 v6, v7  }
0x57: {  	v7 =	vperm.xlane v6, v3;
	_ =	sdelay $0x1  }
0x58: {  	v6 =	vmax.f32 v6, v7  }
0x59: {  	vm0 =	veq.f32 v5, v6  }
0x5a: {  	v7 =	vnsel vm0, $0x10, v4  }
0x5b: {  	v8 =	vperm.xlane v7, v0;
	_ =	sdelay $0x1  }
0x5c: {  	vm0 =	vlt.s32 v7, v8  }
0x5d: {  	v7 =	vsel vm0, v7, v8  }
0x5e: {  	v8 =	vperm.xlane v7, v1;
	_ =	sdelay $0x1  }
0x5f: {  	vm0 =	vlt.s32 v7, v8  }
0x60: {  	v7 =	vsel vm0, v7, v8  }
0x61: {  	v8 =	vperm.xlane v7, v2;
	_ =	sdelay $0x1  }
0x62: {  	vm0 =	vlt.s32 v7, v8  }
0x63: {  	v7 =	vsel vm0, v7, v8  }
0x64: {  	v8 =	vperm.xlane v7, v3;
	_ =	sdelay $0x1  }
0x65: {  	vm0 =	vlt.s32 v7, v8  }
0x66: {  	v7 =	vsel vm0, v7, v8  }
0x67: {  	vm0 =	veq.s32 v7, v4  }
0x68: {  	v5 =	vsel vm0, $0xFF800000, v5  }
0x69: {  	v7 =	vperm.xlane v5, v0;
	_ =	sdelay $0x1  }
0x6a: {  	v7 =	vmax.f32 v5, v7  }
0x6b: {  	v8 =	vperm.xlane v7, v1;
	_ =	sdelay $0x1  }
0x6c: {  	v7 =	vmax.f32 v7, v8  }
0x6d: {  	v8 =	vperm.xlane v7, v2;
	_ =	sdelay $0x1  }
0x6e: {  	v7 =	vmax.f32 v7, v8  }
0x6f: {  	v8 =	vperm.xlane v7, v3;
	_ =	sdelay $0x1  }
0x70: {  	v7 =	vmax.f32 v7, v8  }
0x71: {  	vm1 =	veq.f32 v5, v7;
	v5 =	vsub.f32 v7, v6  }
0x72: {  	v6 =	vnsel vm1, $0x10, v4  }
0x73: {  	v7 =	vperm.xlane v6, v0;
	v5 =	vmul.f32 $1.442695020e+00, v5;
	_ =	sdelay $0x1  }
0x74: {  	vm1 =	vlt.s32 v6, v7;
	(erf) = vpow2.f32 v5  }
0x75: {  	v5 =	vsel vm1, v6, v7  }
0x76: {  	v6 =	vperm.xlane v5, v1;
	_ =	sdelay $0x1  }
0x77: {  	vm1 =	vlt.s32 v5, v6  }
0x78: {  	v5 =	vsel vm1, v5, v6  }
0x79: {  	v7 =	vperm.xlane v5, v2;
	_ =	sdelay $0x1  }
0x7a: {  	vm1 =	vlt.s32 v5, v7  }
0x7b: {  	v5 =	vsel vm1, v5, v7;
	v6 =	vpop (erf)  }
0x7c: {  	v7 =	vperm.xlane v5, v3;
	v8 =	vadd.f32 $1.000000000e+00, v6;
	_ =	sdelay $0x1  }
0x7d: {  	vm1 =	vlt.s32 v5, v7;
	(erf) = vrcp.f32 v8  }
0x7e: {  	v5 =	vsel vm1, v5, v7;
	_ =	sdelay $0x7  }
0x7f: {  	v7 =	vpop (erf)  }
0x80: {  	v6 =	vmul.f32 v7, v6  }
0x81: {  	vm1 =	veq.s32 v5, v4  }
0x82: {  	v5 =	vnsel vm1, $0x0, v6  }
.Ltmp1:
0x83: {  	v5 =	vsel vm0, v7, v5;
	(pc) =	sbr.rel @p1 .LBB2_1-.Ltmp1, $4  }
0x84: {  	[tilespmem:$0x80] =	vst v5  }
0x85: {  	[hbm4b:s1+s8] =	stream.linear.scatter @!p0 [tilespmem:s9], [sflag:$0x1], $0x80, $0x38;
	[tilespmem:$0x100] =	vst v63  }
0x86: {  	_ =	swait.ge @!p0 [sflag:s7], $0x80  }
0x87: {  	[sflag:s7] =	ssyncset.done @!p0 $0x0  }
.LBB2_2:
0x88: {  	[sflag:s7] =	ssyncadd.s32 @!p0 $0xFFFFFF80  }
0x89: {  	_ =	sfence.sel $0x180000  }
0x8a: {  	[bflag:$0x0] =	sbarrier.arrive $0xFFFF  }
0x8b: {  	p0 =	sne.s32 s5, $0x0;
	_ =	strace $0x90000047  }
0x8c: {  	s0 =	sadd.s32 @!p0 $0x100000, s0;
	[bflag:$0x2] =	sbarrier.arrive $0xFFFF  }
0x8d: {  	[sflag:s0] =	ssyncadd.tile.s32 @!p0 $0x1;
	_ =	shalt  }
.Lfunc_end2:
_tile_overlayer_lowered:
.L_overlay_start_2:
0x8e: {  	(tag) =	ssettag $0x2  }
0x8f: {  	s0 =	rddreg [dreg:$0x0];
	s2 =	stileid.u32  }
0x90: {  	s1 =	rddreg [dreg:$0x1];
	p0 =	sne.s32 s2, $0x0  }
0x91: {  	s3 =	rddreg [dreg:$0x2];
	[bflag:$0x3] =	sbarrier.arrive $0xFFFF;
	s2 =	simm.s32 @!p0 $0x1C01  }
0x92: {  	[timem:s3], [sflag:s2] =	dma.local @!p0 [hbm:s0], s1  }
0x93: {  	s0 =	simm.s32 @!p0 $0x1  }
0x94: {  	_ =	swait.ge @!p0 [sflag:s0], s1  }
0x95: {  	s1 =	ssub.s32 @!p0 $0x0, s1;
	[sflag:s0] =	ssyncset.done @!p0 $0x0  }
0x96: {  	[sflag:s0] =	ssyncadd.s32 @!p0 s1  }
0x97: {  	[bflag:$0x3] =	sbarrier.arrive $0xFFFF  }
0x98: {  	_ =	shalt  }

</sc_bundles>
